<compile_context>
chip_gen: v7x
topology: tpu7x:2x2x1
jax: 0.10.2.dev20260603
libtpu: 0.0.44.dev20260713+nightly
codegen_flags: <defaults>
</compile_context>

<pallas_src>
import jax
import jax.numpy as jnp
from jax import lax
from jax.experimental import pallas as pl
from jax.experimental.pallas import tpu as pltpu
from jax.experimental.pallas import tpu_sc as plsc

B = 4096
F = 26
V = 100000
VP = 100096
D = 16
H = 128

NC = 2
NS = 16
NW = NC * NS
BPW = B // NW
NG = BPW // 16


SBLK = 800768
SLEN = 799872


def _sc_body(idx_hbm, xv_hbm, sec_hbm, first_hbm, z_out, fo_out,
             idx_v, idxg_v, xv_v, buf, fo_v, z_v, fo_s, sem_r, sem_f):
    wid = lax.axis_index("s") * NC + lax.axis_index("c")
    base = wid * BPW
    pltpu.sync_copy(idx_hbm.at[:, pl.ds(base, BPW)], idx_v)
    pltpu.sync_copy(xv_hbm.at[:, pl.ds(base, BPW)], xv_v)

    def idxg(i, carry):
        f = i // NG
        col = (i % NG) * 16
        g = idx_v[f, pl.ds(col, 16)]
        idxg_v[f, pl.ds(col, 16)] = g + (g >> 7) * 896
        return carry

    lax.fori_loop(0, F * NG, idxg, 0)

    def fire(f, carry):
        off = pl.multiple_of(f * VP, 8)
        pltpu.async_copy(first_hbm.at[pl.ds(off, V)].at[idx_v.at[f]],
                         fo_v.at[pl.ds(f * BPW, BPW)], sem_f)
        for d in range(D):
            sb = pl.multiple_of(f * (2 * SBLK) + (d // 8) * SBLK
                                + (d % 8) * 128, 8)
            pltpu.async_copy(sec_hbm.at[pl.ds(sb, SLEN)].at[idxg_v.at[f]],
                             buf.at[pl.ds((f * D + d) * BPW, BPW)], sem_r)
        return carry

    lax.fori_loop(0, F, fire, 0)
    pltpu.make_async_copy(sec_hbm.at[pl.ds(0, F * D * BPW)], buf,
                          sem_r).wait()
    pltpu.make_async_copy(sec_hbm.at[pl.ds(0, F * BPW)], fo_v,
                          sem_f).wait()

    def fm(i, carry):
        d = i // NG
        col = (i % NG) * 16
        acc = jnp.zeros((16,), jnp.float32)
        acc2 = jnp.zeros((16,), jnp.float32)
        for f in range(F):
            s = (buf[pl.ds((f * D + d) * BPW + col, 16)]
                 * xv_v[f, pl.ds(col, 16)])
            acc = acc + s
            acc2 = acc2 + s * s
        z_v[d, pl.ds(col, 16)] = 0.5 * (acc * acc - acc2)
        return carry

    lax.fori_loop(0, D * NG, fm, 0)

    def first_order(g, carry):
        col = g * 16
        facc = jnp.zeros((16,), jnp.float32)
        for f in range(F):
            facc = facc + (fo_v[pl.ds(f * BPW + col, 16)]
                           * xv_v[f, pl.ds(col, 16)])
        fo_s[pl.ds(col, 16)] = facc
        return carry

    lax.fori_loop(0, NG, first_order, 0)
    pltpu.sync_copy(z_v, z_out.at[:, pl.ds(base, BPW)])
    pltpu.sync_copy(fo_s, fo_out.at[pl.ds(base, BPW)])


_sc_fm = pl.kernel(
    _sc_body,
    out_type=[jax.ShapeDtypeStruct((D, B), jnp.float32),
              jax.ShapeDtypeStruct((B,), jnp.float32)],
    mesh=plsc.VectorSubcoreMesh(core_axis_name="c", subcore_axis_name="s"),
    scratch_types=[pltpu.VMEM((F, BPW), jnp.int32),
                   pltpu.VMEM((F, BPW), jnp.int32),
                   pltpu.VMEM((F, BPW), jnp.float32),
                   pltpu.VMEM((F * D * BPW,), jnp.float32),
                   pltpu.VMEM((F * BPW,), jnp.float32),
                   pltpu.VMEM((D, BPW), jnp.float32),
                   pltpu.VMEM((BPW,), jnp.float32),
                   pltpu.SemaphoreType.DMA,
                   pltpu.SemaphoreType.DMA],
    compiler_params=pltpu.CompilerParams(use_tc_tiling_on_sc=False),
)


CB = 512


def _tc_body(zt_ref, fos_ref, w0_ref, w1_ref, b0_ref, b1_ref, bc_ref,
             out_ref):
    zt = zt_ref[...]
    h = jnp.maximum(
        lax.dot_general(w0_ref[...], zt, (((0,), (0,)), ((), ())),
                        preferred_element_type=jnp.float32)
        + b0_ref[...], 0.0)
    y = jnp.maximum(
        lax.dot_general(w1_ref[...], h, (((0,), (0,)), ((), ())),
                        preferred_element_type=jnp.float32)
        + b1_ref[...], 0.0)
    out_ref[...] = jnp.sum(y, axis=0) + fos_ref[...] + bc_ref[0]


_tc_mlp = pl.pallas_call(
    _tc_body,
    grid=(B // CB,),
    in_specs=[
        pl.BlockSpec((D, CB), lambda i: (0, i)),
        pl.BlockSpec((CB,), lambda i: (i,)),
        pl.BlockSpec((D, H), lambda i: (0, 0)),
        pl.BlockSpec((H, H), lambda i: (0, 0)),
        pl.BlockSpec((H, 1), lambda i: (0, 0)),
        pl.BlockSpec((H, 1), lambda i: (0, 0)),
        pl.BlockSpec(memory_space=pltpu.SMEM),
    ],
    out_specs=pl.BlockSpec((CB,), lambda i: (i,)),
    out_shape=jax.ShapeDtypeStruct((B,), jnp.float32),
)


def kernel(Xi, Xv, first_tables, second_tables, W0, b0, W1, b1, b_const):
    idx_t = Xi[:, :, 0].T
    xv_t = Xv.T
    nvb = VP // 128
    sec_lin = (jnp.pad(second_tables, ((0, 0), (0, VP - V), (0, 0)))
               .transpose(0, 2, 1).reshape(F, 2, 8, nvb, 128)
               .transpose(0, 1, 3, 2, 4).reshape(F * 2 * nvb * 8 * 128))
    first_lin = jnp.pad(first_tables[:, :, 0],
                        ((0, 0), (0, VP - V))).reshape(F * VP)
    z_t, fo_sum = _sc_fm(idx_t, xv_t, sec_lin, first_lin)
    return _tc_mlp(z_t, fo_sum, W0, W1,
                   b0.reshape(H, 1), b1.reshape(H, 1), b_const.reshape(1))

# --- scband reference (transcript-rebuilt; emitter-appended) ---
"""Pipeline reference for scband-nfm-314 (READ-ONLY COPY).

The authoritative reference and input builder live on the scoring server;
editing this copy changes nothing except your own understanding.
"""

import jax, jax.numpy as jnp
import numpy as np

B = 4096
F = 26
V = 100000
D = 16
H = 128


def setup_inputs(seed: int = 0) -> dict:
    key = jax.random.key(seed)
    ks = jax.random.split(key, 8)
    # Xi: categorical index per field (int32 used since jax x64 is off by default; values < V)
    Xi = jax.random.randint(ks[0], (B, F, 1), 0, V).astype(jnp.int32)
    Xv = jax.random.normal(ks[1], (B, F), dtype=jnp.float32)
    # learned params: per-field first-order (dim 1) and second-order (dim D) embedding tables,
    # all feature_sizes equal so we stack tables along a leading field axis
    first_tables = jax.random.normal(ks[2], (F, V, 1), dtype=jnp.float32) * 0.01
    second_tables = jax.random.normal(ks[3], (F, V, D), dtype=jnp.float32) * 0.01
    W0 = jax.random.normal(ks[4], (D, H), dtype=jnp.float32) * 0.1
    b0 = jnp.zeros((H,), dtype=jnp.float32)
    W1 = jax.random.normal(ks[5], (H, H), dtype=jnp.float32) * 0.1
    b1 = jnp.zeros((H,), dtype=jnp.float32)
    b_const = jnp.asarray(0.99, dtype=jnp.float32)  # non-trainable bias b
    return {"Xi": Xi, "Xv": Xv, "first_tables": first_tables,
            "second_tables": second_tables, "W0": W0, "b0": b0,
            "W1": W1, "b1": b1, "b_const": b_const}


def reference(Xi, Xv, first_tables, second_tables, W0, b0, W1, b1, b_const):
    # NFM forward, interaction_type=True, eval mode (dropout = identity)
    idx = Xi[:, :, 0]  # [B, F]
    # per-field embedding gather: tab[i][idx[:, i]]
    gather = jax.vmap(lambda tab, ix: tab[ix], in_axes=(0, 1), out_axes=1)
    # first order: emb(Xi[:,i,:]) summed over the length-1 axis, scaled by Xv[:, i]
    first_order = gather(first_tables, idx)[..., 0] * Xv  # [B, F]
    # second order embeddings scaled by Xv
    se = gather(second_tables, idx) * Xv[:, :, None]  # [B, F, D]
    sum_emb = jnp.sum(se, axis=1)                      # [B, D]
    sum_emb_sq = sum_emb * sum_emb
    sq_sum_emb = jnp.sum(se * se, axis=1)
    second_order = 0.5 * (sum_emb_sq - sq_sum_emb)     # [B, D]
    # deep component (max_num_hidden_layers = 2)
    x = jax.nn.relu(second_order @ W0 + b0)
    x = jax.nn.relu(x @ W1 + b1)
    total_sum = b_const + jnp.sum(first_order, axis=1) + jnp.sum(x, axis=1)
    return total_sum

if __name__ == "__main__":
    import jax
    _d = setup_inputs()
    print(jax.jit(kernel)(*tuple(_d.values())))

</pallas_src>

<mosaic_0001>
#map = affine_map<(d0, d1) -> (0, 0)>
#map1 = affine_map<(d0, d1) -> (0)>
module attributes {stable_mosaic.version = 14 : i64} {
  func.func @_sc_body(%arg0: i32, %arg1: i32, %arg2: memref<26x4096xi32, #tpu.memory_space<hbm>>, %arg3: memref<26x4096xf32, #tpu.memory_space<hbm>>, %arg4: memref<41639936xf32, #tpu.memory_space<hbm>>, %arg5: memref<2602496xf32, #tpu.memory_space<hbm>>, %arg6: memref<16x4096xf32, #tpu.memory_space<hbm>>, %arg7: memref<4096xf32, #tpu.memory_space<hbm>>, %arg8: memref<26x128xi32, #tpu.memory_space<vmem>>, %arg9: memref<26x128xi32, #tpu.memory_space<vmem>>, %arg10: memref<26x128xf32, #tpu.memory_space<vmem>>, %arg11: memref<53248xf32, #tpu.memory_space<vmem>>, %arg12: memref<3328xf32, #tpu.memory_space<vmem>>, %arg13: memref<16x128xf32, #tpu.memory_space<vmem>>, %arg14: memref<128xf32, #tpu.memory_space<vmem>>, %arg15: memref<!tpu.dma_semaphore, #tpu.memory_space<semaphore_mem>>, %arg16: memref<!tpu.dma_semaphore, #tpu.memory_space<semaphore_mem>>) attributes {dimension_semantics = [#tpu.dimension_semantics<core_parallel>, #tpu.dimension_semantics<subcore_parallel>], iteration_bounds = array<i64: 2, 16>, scalar_prefetch = 0 : i64, scratch_operands = 9 : i64, tpu.core_type = #tpu.core_type<sc_vector_subcore>, window_params = [{transform_indices = #map}, {transform_indices = #map}, {transform_indices = #map1}, {transform_indices = #map1}, {transform_indices = #map}, {transform_indices = #map1}]} {
    %mul3A = arith.constant 2 : i32
    %mul3A_0 = arith.muli %arg1, %mul3A : i32
    %add3A = arith.addi %mul3A_0, %arg0 : i32
    %mul3A_1 = arith.constant 128 : i32
    %mul3A_2 = arith.muli %add3A, %mul3A_1 : i32
    "tpu.region"() ({
      %run_scoped3A = tpu.sem_alloc : memref<!tpu.dma_semaphore, #tpu.memory_space<semaphore_mem>>
      %dma_start3A = arith.constant 0 : i32
      %dma_start3A_33 = tpu.memref_slice %arg2[%dma_start3A, %mul3A_2] : memref<26x4096xi32, #tpu.memory_space<hbm>> -> memref<26x128xi32, #tpu.memory_space<hbm>>
      %dma_start3A_34 = arith.constant 0 : i32
      %dma_start3A_35 = tpu.memref_slice %arg2[%dma_start3A_34, %mul3A_2] : memref<26x4096xi32, #tpu.memory_space<hbm>> -> memref<26x128xi32, #tpu.memory_space<hbm>>
      tpu.enqueue_dma source(%dma_start3A_35 : memref<26x128xi32, #tpu.memory_space<hbm>>) target(%arg8 : memref<26x128xi32, #tpu.memory_space<vmem>>) target_semaphore(%run_scoped3A : memref<!tpu.dma_semaphore, #tpu.memory_space<semaphore_mem>>)
      %dma_wait3A_36 = arith.constant 0 : i32
      %dma_wait3A_37 = tpu.memref_slice %arg2[%dma_wait3A_36, %mul3A_2] : memref<26x4096xi32, #tpu.memory_space<hbm>> -> memref<26x128xi32, #tpu.memory_space<hbm>>
      %dma_wait3A_38 = arith.constant 0 : i32
      %dma_wait3A_39 = tpu.memref_slice %arg2[%dma_wait3A_38, %mul3A_2] : memref<26x4096xi32, #tpu.memory_space<hbm>> -> memref<26x128xi32, #tpu.memory_space<hbm>>
      tpu.wait_dma2 semaphore(%run_scoped3A : memref<!tpu.dma_semaphore, #tpu.memory_space<semaphore_mem>>) src(%dma_wait3A_39 : memref<26x128xi32, #tpu.memory_space<hbm>>) dst(%arg8 : memref<26x128xi32, #tpu.memory_space<vmem>>)
      tpu.yield
    }) : () -> ()
    "tpu.region"() ({
      %run_scoped3A = tpu.sem_alloc : memref<!tpu.dma_semaphore, #tpu.memory_space<semaphore_mem>>
      %dma_start3A = arith.constant 0 : i32
      %dma_start3A_33 = tpu.memref_slice %arg3[%dma_start3A, %mul3A_2] : memref<26x4096xf32, #tpu.memory_space<hbm>> -> memref<26x128xf32, #tpu.memory_space<hbm>>
      %dma_start3A_34 = arith.constant 0 : i32
      %dma_start3A_35 = tpu.memref_slice %arg3[%dma_start3A_34, %mul3A_2] : memref<26x4096xf32, #tpu.memory_space<hbm>> -> memref<26x128xf32, #tpu.memory_space<hbm>>
      tpu.enqueue_dma source(%dma_start3A_35 : memref<26x128xf32, #tpu.memory_space<hbm>>) target(%arg10 : memref<26x128xf32, #tpu.memory_space<vmem>>) target_semaphore(%run_scoped3A : memref<!tpu.dma_semaphore, #tpu.memory_space<semaphore_mem>>)
      %dma_wait3A_36 = arith.constant 0 : i32
      %dma_wait3A_37 = tpu.memref_slice %arg3[%dma_wait3A_36, %mul3A_2] : memref<26x4096xf32, #tpu.memory_space<hbm>> -> memref<26x128xf32, #tpu.memory_space<hbm>>
      %dma_wait3A_38 = arith.constant 0 : i32
      %dma_wait3A_39 = tpu.memref_slice %arg3[%dma_wait3A_38, %mul3A_2] : memref<26x4096xf32, #tpu.memory_space<hbm>> -> memref<26x128xf32, #tpu.memory_space<hbm>>
      tpu.wait_dma2 semaphore(%run_scoped3A : memref<!tpu.dma_semaphore, #tpu.memory_space<semaphore_mem>>) src(%dma_wait3A_39 : memref<26x128xf32, #tpu.memory_space<hbm>>) dst(%arg10 : memref<26x128xf32, #tpu.memory_space<vmem>>)
      tpu.yield
    }) : () -> ()
    %scan3A = arith.constant 0 : i32
    %scan3A_3 = arith.constant 0 : i32
    %scan3A_4 = arith.constant 208 : i32
    %scan3A_5 = arith.addi %scan3A_3, %scan3A_4 : i32
    %scan3A_6 = arith.constant 1 : i32
    scf.for %scan3A_33 = %scan3A_3 to %scan3A_5 step %scan3A_6  : i32 {
      %jit3A = arith.constant 8 : i32
      %div3A = arith.divsi %scan3A_33, %jit3A : i32
      %sign3A = arith.constant 0 : i32
      %sign3A_34 = arith.cmpi sgt, %scan3A_33, %sign3A : i32
      %sign3A_35 = arith.extui %sign3A_34 : i1 to i32
      %sign3A_36 = arith.constant 0 : i32
      %sign3A_37 = arith.cmpi slt, %scan3A_33, %sign3A_36 : i32
      %sign3A_38 = arith.extui %sign3A_37 : i1 to i32
      %sign3A_39 = arith.subi %sign3A_35, %sign3A_38 : i32
      %sign3A_40 = arith.constant 0 : i32
      %sign3A_41 = arith.cmpi sgt, %jit3A, %sign3A_40 : i32
      %sign3A_42 = arith.extui %sign3A_41 : i1 to i32
      %sign3A_43 = arith.constant 0 : i32
      %sign3A_44 = arith.cmpi slt, %jit3A, %sign3A_43 : i32
      %sign3A_45 = arith.extui %sign3A_44 : i1 to i32
      %sign3A_46 = arith.subi %sign3A_42, %sign3A_45 : i32
      %ne3A = arith.cmpi ne, %sign3A_39, %sign3A_46 : i32
      %rem3A = arith.remsi %scan3A_33, %jit3A : i32
      %ne3A_47 = arith.constant 0 : i32
      %ne3A_48 = arith.cmpi ne, %rem3A, %ne3A_47 : i32
      %and3A = arith.andi %ne3A, %ne3A_48 : i1
      %sub3A = arith.constant 1 : i32
      %sub3A_49 = arith.subi %div3A, %sub3A : i32
      %select_n3A = arith.select %and3A, %sub3A_49, %div3A : i32
      %jit3A_50 = arith.constant 8 : i32
      %eq3A = arith.constant 0 : i32
      %eq3A_51 = arith.cmpi eq, %jit3A_50, %eq3A : i32
      %jit3A_52 = arith.constant 1 : i32
      %select_n3A_53 = arith.select %eq3A_51, %jit3A_52, %jit3A_50 : i32
      %rem3A_54 = arith.remsi %scan3A_33, %select_n3A_53 : i32
      %ne3A_55 = arith.constant 0 : i32
      %ne3A_56 = arith.cmpi ne, %rem3A_54, %ne3A_55 : i32
      %lt3A = arith.constant 0 : i32
      %lt3A_57 = arith.cmpi slt, %rem3A_54, %lt3A : i32
      %lt3A_58 = arith.constant 0 : i32
      %lt3A_59 = arith.cmpi slt, %select_n3A_53, %lt3A_58 : i32
      %ne3A_60 = arith.xori %lt3A_57, %lt3A_59 : i1
      %and3A_61 = arith.andi %ne3A_60, %ne3A_56 : i1
      %add3A_62 = arith.addi %rem3A_54, %select_n3A_53 : i32
      %select_n3A_63 = arith.select %and3A_61, %add3A_62, %rem3A_54 : i32
      %mul3A_64 = arith.constant 16 : i32
      %mul3A_65 = arith.muli %select_n3A_63, %mul3A_64 : i32
      %get3A = arith.index_cast %select_n3A : i32 to index
      %get3A_66 = arith.index_cast %mul3A_65 : i32 to index
      %get3A_67 = tpu.vector_load %arg8[%get3A, %get3A_66] {strides = array<i32>} : memref<26x128xi32, #tpu.memory_space<vmem>>, vector<1x16xi32>,
      %get3A_68 = vector.shape_cast %get3A_67 : vector<1x16xi32> to vector<16xi32>
      %shift_right_arithmetic3A = arith.constant 7 : i32
      %shift_right_arithmetic3A_69 = vector.broadcast %shift_right_arithmetic3A : i32 to vector<16xi32>
      %shift_right_arithmetic3A_70 = arith.shrsi %get3A_68, %shift_right_arithmetic3A_69 : vector<16xi32>
      %mul3A_71 = arith.constant 896 : i32
      %mul3A_72 = vector.broadcast %mul3A_71 : i32 to vector<16xi32>
      %mul3A_73 = arith.muli %shift_right_arithmetic3A_70, %mul3A_72 : vector<16xi32>
      %add3A_74 = arith.addi %get3A_68, %mul3A_73 : vector<16xi32>
      %swap3A = arith.index_cast %select_n3A : i32 to index
      %swap3A_75 = arith.index_cast %mul3A_65 : i32 to index
      %swap3A_76 = tpu.vector_load %arg9[%swap3A, %swap3A_75] {strides = array<i32>} : memref<26x128xi32, #tpu.memory_space<vmem>>, vector<1x16xi32>,
      %swap3A_77 = vector.shape_cast %swap3A_76 : vector<1x16xi32> to vector<16xi32>
      %swap3A_78 = vector.shape_cast %add3A_74 : vector<16xi32> to vector<1x16xi32>
      tpu.vector_store %arg9[%swap3A, %swap3A_75], %swap3A_78 {strides = array<i32>} : memref<26x128xi32, #tpu.memory_space<vmem>>, vector<1x16xi32>,
    }
    %scan3A_7 = arith.constant 208 : i32
    %scan3A_8 = arith.constant 0 : i32
    %scan3A_9 = arith.constant 0 : i32
    %scan3A_10 = arith.constant 26 : i32
    %scan3A_11 = arith.addi %scan3A_9, %scan3A_10 : i32
    %scan3A_12 = arith.constant 1 : i32
    scf.for %scan3A_33 = %scan3A_9 to %scan3A_11 step %scan3A_12  : i32 {
      %mul3A_34 = arith.constant 100096 : i32
      %mul3A_35 = arith.muli %scan3A_33, %mul3A_34 : i32
      %multiple_of3A = tpu.assume_multiple %mul3A_35, 8 : i32
      %mul3A_36 = arith.constant 128 : i32
      %mul3A_37 = arith.muli %scan3A_33, %mul3A_36 : i32
      %dma_start3A = tpu.memref_slice %arg12[%mul3A_37] : memref<3328xf32, #tpu.memory_space<vmem>> -> memref<128xf32, #tpu.memory_space<vmem>>
      %dma_start3A_38 = arith.constant 0 : i32
      %dma_start3A_39 = tpu.memref_slice %arg8[%scan3A_33, %dma_start3A_38] : memref<26x128xi32, #tpu.memory_space<vmem>> -> memref<1x128xi32, #tpu.memory_space<vmem>>
      %dma_start3A_40 = tpu.memref_squeeze %dma_start3A_39 : memref<1x128xi32, #tpu.memory_space<vmem>> -> memref<128xi32, #tpu.memory_space<vmem>>
      %dma_start3A_41 = tpu.memref_slice %arg5[%multiple_of3A] : memref<2602496xf32, #tpu.memory_space<hbm>> -> memref<100000xf32, #tpu.memory_space<hbm>>
      %dma_start3A_42 = arith.constant 0 : i32
      %dma_start3A_43 = tpu.memref_slice %dma_start3A_41[%dma_start3A_42] : memref<100000xf32, #tpu.memory_space<hbm>> -> memref<100000xf32, #tpu.memory_space<hbm>>
      tpu.enqueue_indirect_dma source(%dma_start3A_43 : memref<100000xf32, #tpu.memory_space<hbm>>) target(%dma_start3A : memref<128xf32, #tpu.memory_space<vmem>>) offsets(%dma_start3A_40 : memref<128xi32, #tpu.memory_space<vmem>>) semaphore(%arg16 : memref<!tpu.dma_semaphore, #tpu.memory_space<semaphore_mem>>)
      %mul3A_44 = arith.constant 1601536 : i32
      %mul3A_45 = arith.muli %scan3A_33, %mul3A_44 : i32
      %add3A_46 = arith.constant 0 : i32
      %add3A_47 = arith.addi %mul3A_45, %add3A_46 : i32
      %add3A_48 = arith.constant 0 : i32
      %add3A_49 = arith.addi %add3A_47, %add3A_48 : i32
      %multiple_of3A_50 = tpu.assume_multiple %add3A_49, 8 : i32
      %mul3A_51 = arith.constant 16 : i32
      %mul3A_52 = arith.muli %scan3A_33, %mul3A_51 : i32
      %add3A_53 = arith.constant 0 : i32
      %add3A_54 = arith.addi %mul3A_52, %add3A_53 : i32
      %mul3A_55 = arith.constant 128 : i32
      %mul3A_56 = arith.muli %add3A_54, %mul3A_55 : i32
      %dma_start3A_57 = tpu.memref_slice %arg11[%mul3A_56] : memref<53248xf32, #tpu.memory_space<vmem>> -> memref<128xf32, #tpu.memory_space<vmem>>
      %dma_start3A_58 = arith.constant 0 : i32
      %dma_start3A_59 = tpu.memref_slice %arg9[%scan3A_33, %dma_start3A_58] : memref<26x128xi32, #tpu.memory_space<vmem>> -> memref<1x128xi32, #tpu.memory_space<vmem>>
      %dma_start3A_60 = tpu.memref_squeeze %dma_start3A_59 : memref<1x128xi32, #tpu.memory_space<vmem>> -> memref<128xi32, #tpu.memory_space<vmem>>
      %dma_start3A_61 = tpu.memref_slice %arg4[%multiple_of3A_50] : memref<41639936xf32, #tpu.memory_space<hbm>> -> memref<799872xf32, #tpu.memory_space<hbm>>
      %dma_start3A_62 = arith.constant 0 : i32
      %dma_start3A_63 = tpu.memref_slice %dma_start3A_61[%dma_start3A_62] : memref<799872xf32, #tpu.memory_space<hbm>> -> memref<799872xf32, #tpu.memory_space<hbm>>
      tpu.enqueue_indirect_dma source(%dma_start3A_63 : memref<799872xf32, #tpu.memory_space<hbm>>) target(%dma_start3A_57 : memref<128xf32, #tpu.memory_space<vmem>>) offsets(%dma_start3A_60 : memref<128xi32, #tpu.memory_space<vmem>>) semaphore(%arg15 : memref<!tpu.dma_semaphore, #tpu.memory_space<semaphore_mem>>)
      %mul3A_64 = arith.constant 1601536 : i32
      %mul3A_65 = arith.muli %scan3A_33, %mul3A_64 : i32
      %add3A_66 = arith.constant 0 : i32
      %add3A_67 = arith.addi %mul3A_65, %add3A_66 : i32
      %add3A_68 = arith.constant 128 : i32
      %add3A_69 = arith.addi %add3A_67, %add3A_68 : i32
      %multiple_of3A_70 = tpu.assume_multiple %add3A_69, 8 : i32
      %mul3A_71 = arith.constant 16 : i32
      %mul3A_72 = arith.muli %scan3A_33, %mul3A_71 : i32
      %add3A_73 = arith.constant 1 : i32
      %add3A_74 = arith.addi %mul3A_72, %add3A_73 : i32
      %mul3A_75 = arith.constant 128 : i32
      %mul3A_76 = arith.muli %add3A_74, %mul3A_75 : i32
      %dma_start3A_77 = tpu.memref_slice %arg11[%mul3A_76] : memref<53248xf32, #tpu.memory_space<vmem>> -> memref<128xf32, #tpu.memory_space<vmem>>
      %dma_start3A_78 = arith.constant 0 : i32
      %dma_start3A_79 = tpu.memref_slice %arg9[%scan3A_33, %dma_start3A_78] : memref<26x128xi32, #tpu.memory_space<vmem>> -> memref<1x128xi32, #tpu.memory_space<vmem>>
      %dma_start3A_80 = tpu.memref_squeeze %dma_start3A_79 : memref<1x128xi32, #tpu.memory_space<vmem>> -> memref<128xi32, #tpu.memory_space<vmem>>
      %dma_start3A_81 = tpu.memref_slice %arg4[%multiple_of3A_70] : memref<41639936xf32, #tpu.memory_space<hbm>> -> memref<799872xf32, #tpu.memory_space<hbm>>
      %dma_start3A_82 = arith.constant 0 : i32
      %dma_start3A_83 = tpu.memref_slice %dma_start3A_81[%dma_start3A_82] : memref<799872xf32, #tpu.memory_space<hbm>> -> memref<799872xf32, #tpu.memory_space<hbm>>
      tpu.enqueue_indirect_dma source(%dma_start3A_83 : memref<799872xf32, #tpu.memory_space<hbm>>) target(%dma_start3A_77 : memref<128xf32, #tpu.memory_space<vmem>>) offsets(%dma_start3A_80 : memref<128xi32, #tpu.memory_space<vmem>>) semaphore(%arg15 : memref<!tpu.dma_semaphore, #tpu.memory_space<semaphore_mem>>)
      %mul3A_84 = arith.constant 1601536 : i32
      %mul3A_85 = arith.muli %scan3A_33, %mul3A_84 : i32
      %add3A_86 = arith.constant 0 : i32
      %add3A_87 = arith.addi %mul3A_85, %add3A_86 : i32
      %add3A_88 = arith.constant 256 : i32
      %add3A_89 = arith.addi %add3A_87, %add3A_88 : i32
      %multiple_of3A_90 = tpu.assume_multiple %add3A_89, 8 : i32
      %mul3A_91 = arith.constant 16 : i32
      %mul3A_92 = arith.muli %scan3A_33, %mul3A_91 : i32
      %add3A_93 = arith.constant 2 : i32
      %add3A_94 = arith.addi %mul3A_92, %add3A_93 : i32
      %mul3A_95 = arith.constant 128 : i32
      %mul3A_96 = arith.muli %add3A_94, %mul3A_95 : i32
      %dma_start3A_97 = tpu.memref_slice %arg11[%mul3A_96] : memref<53248xf32, #tpu.memory_space<vmem>> -> memref<128xf32, #tpu.memory_space<vmem>>
      %dma_start3A_98 = arith.constant 0 : i32
      %dma_start3A_99 = tpu.memref_slice %arg9[%scan3A_33, %dma_start3A_98] : memref<26x128xi32, #tpu.memory_space<vmem>> -> memref<1x128xi32, #tpu.memory_space<vmem>>
      %dma_start3A_100 = tpu.memref_squeeze %dma_start3A_99 : memref<1x128xi32, #tpu.memory_space<vmem>> -> memref<128xi32, #tpu.memory_space<vmem>>
      %dma_start3A_101 = tpu.memref_slice %arg4[%multiple_of3A_90] : memref<41639936xf32, #tpu.memory_space<hbm>> -> memref<799872xf32, #tpu.memory_space<hbm>>
      %dma_start3A_102 = arith.constant 0 : i32
      %dma_start3A_103 = tpu.memref_slice %dma_start3A_101[%dma_start3A_102] : memref<799872xf32, #tpu.memory_space<hbm>> -> memref<799872xf32, #tpu.memory_space<hbm>>
      tpu.enqueue_indirect_dma source(%dma_start3A_103 : memref<799872xf32, #tpu.memory_space<hbm>>) target(%dma_start3A_97 : memref<128xf32, #tpu.memory_space<vmem>>) offsets(%dma_start3A_100 : memref<128xi32, #tpu.memory_space<vmem>>) semaphore(%arg15 : memref<!tpu.dma_semaphore, #tpu.memory_space<semaphore_mem>>)
      %mul3A_104 = arith.constant 1601536 : i32
      %mul3A_105 = arith.muli %scan3A_33, %mul3A_104 : i32
      %add3A_106 = arith.constant 0 : i32
      %add3A_107 = arith.addi %mul3A_105, %add3A_106 : i32
      %add3A_108 = arith.constant 384 : i32
      %add3A_109 = arith.addi %add3A_107, %add3A_108 : i32
      %multiple_of3A_110 = tpu.assume_multiple %add3A_109, 8 : i32
      %mul3A_111 = arith.constant 16 : i32
      %mul3A_112 = arith.muli %scan3A_33, %mul3A_111 : i32
      %add3A_113 = arith.constant 3 : i32
      %add3A_114 = arith.addi %mul3A_112, %add3A_113 : i32
      %mul3A_115 = arith.constant 128 : i32
      %mul3A_116 = arith.muli %add3A_114, %mul3A_115 : i32
      %dma_start3A_117 = tpu.memref_slice %arg11[%mul3A_116] : memref<53248xf32, #tpu.memory_space<vmem>> -> memref<128xf32, #tpu.memory_space<vmem>>
      %dma_start3A_118 = arith.constant 0 : i32
      %dma_start3A_119 = tpu.memref_slice %arg9[%scan3A_33, %dma_start3A_118] : memref<26x128xi32, #tpu.memory_space<vmem>> -> memref<1x128xi32, #tpu.memory_space<vmem>>
      %dma_start3A_120 = tpu.memref_squeeze %dma_start3A_119 : memref<1x128xi32, #tpu.memory_space<vmem>> -> memref<128xi32, #tpu.memory_space<vmem>>
      %dma_start3A_121 = tpu.memref_slice %arg4[%multiple_of3A_110] : memref<41639936xf32, #tpu.memory_space<hbm>> -> memref<799872xf32, #tpu.memory_space<hbm>>
      %dma_start3A_122 = arith.constant 0 : i32
      %dma_start3A_123 = tpu.memref_slice %dma_start3A_121[%dma_start3A_122] : memref<799872xf32, #tpu.memory_space<hbm>> -> memref<799872xf32, #tpu.memory_space<hbm>>
      tpu.enqueue_indirect_dma source(%dma_start3A_123 : memref<799872xf32, #tpu.memory_space<hbm>>) target(%dma_start3A_117 : memref<128xf32, #tpu.memory_space<vmem>>) offsets(%dma_start3A_120 : memref<128xi32, #tpu.memory_space<vmem>>) semaphore(%arg15 : memref<!tpu.dma_semaphore, #tpu.memory_space<semaphore_mem>>)
      %mul3A_124 = arith.constant 1601536 : i32
      %mul3A_125 = arith.muli %scan3A_33, %mul3A_124 : i32
      %add3A_126 = arith.constant 0 : i32
      %add3A_127 = arith.addi %mul3A_125, %add3A_126 : i32
      %add3A_128 = arith.constant 512 : i32
      %add3A_129 = arith.addi %add3A_127, %add3A_128 : i32
      %multiple_of3A_130 = tpu.assume_multiple %add3A_129, 8 : i32
      %mul3A_131 = arith.constant 16 : i32
      %mul3A_132 = arith.muli %scan3A_33, %mul3A_131 : i32
      %add3A_133 = arith.constant 4 : i32
      %add3A_134 = arith.addi %mul3A_132, %add3A_133 : i32
      %mul3A_135 = arith.constant 128 : i32
      %mul3A_136 = arith.muli %add3A_134, %mul3A_135 : i32
      %dma_start3A_137 = tpu.memref_slice %arg11[%mul3A_136] : memref<53248xf32, #tpu.memory_space<vmem>> -> memref<128xf32, #tpu.memory_space<vmem>>
      %dma_start3A_138 = arith.constant 0 : i32
      %dma_start3A_139 = tpu.memref_slice %arg9[%scan3A_33, %dma_start3A_138] : memref<26x128xi32, #tpu.memory_space<vmem>> -> memref<1x128xi32, #tpu.memory_space<vmem>>
      %dma_start3A_140 = tpu.memref_squeeze %dma_start3A_139 : memref<1x128xi32, #tpu.memory_space<vmem>> -> memref<128xi32, #tpu.memory_space<vmem>>
      %dma_start3A_141 = tpu.memref_slice %arg4[%multiple_of3A_130] : memref<41639936xf32, #tpu.memory_space<hbm>> -> memref<799872xf32, #tpu.memory_space<hbm>>
      %dma_start3A_142 = arith.constant 0 : i32
      %dma_start3A_143 = tpu.memref_slice %dma_start3A_141[%dma_start3A_142] : memref<799872xf32, #tpu.memory_space<hbm>> -> memref<799872xf32, #tpu.memory_space<hbm>>
      tpu.enqueue_indirect_dma source(%dma_start3A_143 : memref<799872xf32, #tpu.memory_space<hbm>>) target(%dma_start3A_137 : memref<128xf32, #tpu.memory_space<vmem>>) offsets(%dma_start3A_140 : memref<128xi32, #tpu.memory_space<vmem>>) semaphore(%arg15 : memref<!tpu.dma_semaphore, #tpu.memory_space<semaphore_mem>>)
      %mul3A_144 = arith.constant 1601536 : i32
      %mul3A_145 = arith.muli %scan3A_33, %mul3A_144 : i32
      %add3A_146 = arith.constant 0 : i32
      %add3A_147 = arith.addi %mul3A_145, %add3A_146 : i32
      %add3A_148 = arith.constant 640 : i32
      %add3A_149 = arith.addi %add3A_147, %add3A_148 : i32
      %multiple_of3A_150 = tpu.assume_multiple %add3A_149, 8 : i32
      %mul3A_151 = arith.constant 16 : i32
      %mul3A_152 = arith.muli %scan3A_33, %mul3A_151 : i32
      %add3A_153 = arith.constant 5 : i32
      %add3A_154 = arith.addi %mul3A_152, %add3A_153 : i32
      %mul3A_155 = arith.constant 128 : i32
      %mul3A_156 = arith.muli %add3A_154, %mul3A_155 : i32
      %dma_start3A_157 = tpu.memref_slice %arg11[%mul3A_156] : memref<53248xf32, #tpu.memory_space<vmem>> -> memref<128xf32, #tpu.memory_space<vmem>>
      %dma_start3A_158 = arith.constant 0 : i32
      %dma_start3A_159 = tpu.memref_slice %arg9[%scan3A_33, %dma_start3A_158] : memref<26x128xi32, #tpu.memory_space<vmem>> -> memref<1x128xi32, #tpu.memory_space<vmem>>
      %dma_start3A_160 = tpu.memref_squeeze %dma_start3A_159 : memref<1x128xi32, #tpu.memory_space<vmem>> -> memref<128xi32, #tpu.memory_space<vmem>>
      %dma_start3A_161 = tpu.memref_slice %arg4[%multiple_of3A_150] : memref<41639936xf32, #tpu.memory_space<hbm>> -> memref<799872xf32, #tpu.memory_space<hbm>>
      %dma_start3A_162 = arith.constant 0 : i32
      %dma_start3A_163 = tpu.memref_slice %dma_start3A_161[%dma_start3A_162] : memref<799872xf32, #tpu.memory_space<hbm>> -> memref<799872xf32, #tpu.memory_space<hbm>>
      tpu.enqueue_indirect_dma source(%dma_start3A_163 : memref<799872xf32, #tpu.memory_space<hbm>>) target(%dma_start3A_157 : memref<128xf32, #tpu.memory_space<vmem>>) offsets(%dma_start3A_160 : memref<128xi32, #tpu.memory_space<vmem>>) semaphore(%arg15 : memref<!tpu.dma_semaphore, #tpu.memory_space<semaphore_mem>>)
      %mul3A_164 = arith.constant 1601536 : i32
      %mul3A_165 = arith.muli %scan3A_33, %mul3A_164 : i32
      %add3A_166 = arith.constant 0 : i32
      %add3A_167 = arith.addi %mul3A_165, %add3A_166 : i32
      %add3A_168 = arith.constant 768 : i32
      %add3A_169 = arith.addi %add3A_167, %add3A_168 : i32
      %multiple_of3A_170 = tpu.assume_multiple %add3A_169, 8 : i32
      %mul3A_171 = arith.constant 16 : i32
      %mul3A_172 = arith.muli %scan3A_33, %mul3A_171 : i32
      %add3A_173 = arith.constant 6 : i32
      %add3A_174 = arith.addi %mul3A_172, %add3A_173 : i32
      %mul3A_175 = arith.constant 128 : i32
      %mul3A_176 = arith.muli %add3A_174, %mul3A_175 : i32
      %dma_start3A_177 = tpu.memref_slice %arg11[%mul3A_176] : memref<53248xf32, #tpu.memory_space<vmem>> -> memref<128xf32, #tpu.memory_space<vmem>>
      %dma_start3A_178 = arith.constant 0 : i32
      %dma_start3A_179 = tpu.memref_slice %arg9[%scan3A_33, %dma_start3A_178] : memref<26x128xi32, #tpu.memory_space<vmem>> -> memref<1x128xi32, #tpu.memory_space<vmem>>
      %dma_start3A_180 = tpu.memref_squeeze %dma_start3A_179 : memref<1x128xi32, #tpu.memory_space<vmem>> -> memref<128xi32, #tpu.memory_space<vmem>>
      %dma_start3A_181 = tpu.memref_slice %arg4[%multiple_of3A_170] : memref<41639936xf32, #tpu.memory_space<hbm>> -> memref<799872xf32, #tpu.memory_space<hbm>>
      %dma_start3A_182 = arith.constant 0 : i32
      %dma_start3A_183 = tpu.memref_slice %dma_start3A_181[%dma_start3A_182] : memref<799872xf32, #tpu.memory_space<hbm>> -> memref<799872xf32, #tpu.memory_space<hbm>>
      tpu.enqueue_indirect_dma source(%dma_start3A_183 : memref<799872xf32, #tpu.memory_space<hbm>>) target(%dma_start3A_177 : memref<128xf32, #tpu.memory_space<vmem>>) offsets(%dma_start3A_180 : memref<128xi32, #tpu.memory_space<vmem>>) semaphore(%arg15 : memref<!tpu.dma_semaphore, #tpu.memory_space<semaphore_mem>>)
      %mul3A_184 = arith.constant 1601536 : i32
      %mul3A_185 = arith.muli %scan3A_33, %mul3A_184 : i32
      %add3A_186 = arith.constant 0 : i32
      %add3A_187 = arith.addi %mul3A_185, %add3A_186 : i32
      %add3A_188 = arith.constant 896 : i32
      %add3A_189 = arith.addi %add3A_187, %add3A_188 : i32
      %multiple_of3A_190 = tpu.assume_multiple %add3A_189, 8 : i32
      %mul3A_191 = arith.constant 16 : i32
      %mul3A_192 = arith.muli %scan3A_33, %mul3A_191 : i32
      %add3A_193 = arith.constant 7 : i32
      %add3A_194 = arith.addi %mul3A_192, %add3A_193 : i32
      %mul3A_195 = arith.constant 128 : i32
      %mul3A_196 = arith.muli %add3A_194, %mul3A_195 : i32
      %dma_start3A_197 = tpu.memref_slice %arg11[%mul3A_196] : memref<53248xf32, #tpu.memory_space<vmem>> -> memref<128xf32, #tpu.memory_space<vmem>>
      %dma_start3A_198 = arith.constant 0 : i32
      %dma_start3A_199 = tpu.memref_slice %arg9[%scan3A_33, %dma_start3A_198] : memref<26x128xi32, #tpu.memory_space<vmem>> -> memref<1x128xi32, #tpu.memory_space<vmem>>
      %dma_start3A_200 = tpu.memref_squeeze %dma_start3A_199 : memref<1x128xi32, #tpu.memory_space<vmem>> -> memref<128xi32, #tpu.memory_space<vmem>>
      %dma_start3A_201 = tpu.memref_slice %arg4[%multiple_of3A_190] : memref<41639936xf32, #tpu.memory_space<hbm>> -> memref<799872xf32, #tpu.memory_space<hbm>>
      %dma_start3A_202 = arith.constant 0 : i32
      %dma_start3A_203 = tpu.memref_slice %dma_start3A_201[%dma_start3A_202] : memref<799872xf32, #tpu.memory_space<hbm>> -> memref<799872xf32, #tpu.memory_space<hbm>>
      tpu.enqueue_indirect_dma source(%dma_start3A_203 : memref<799872xf32, #tpu.memory_space<hbm>>) target(%dma_start3A_197 : memref<128xf32, #tpu.memory_space<vmem>>) offsets(%dma_start3A_200 : memref<128xi32, #tpu.memory_space<vmem>>) semaphore(%arg15 : memref<!tpu.dma_semaphore, #tpu.memory_space<semaphore_mem>>)
      %mul3A_204 = arith.constant 1601536 : i32
      %mul3A_205 = arith.muli %scan3A_33, %mul3A_204 : i32
      %add3A_206 = arith.constant 800768 : i32
      %add3A_207 = arith.addi %mul3A_205, %add3A_206 : i32
      %add3A_208 = arith.constant 0 : i32
      %add3A_209 = arith.addi %add3A_207, %add3A_208 : i32
      %multiple_of3A_210 = tpu.assume_multiple %add3A_209, 8 : i32
      %mul3A_211 = arith.constant 16 : i32
      %mul3A_212 = arith.muli %scan3A_33, %mul3A_211 : i32
      %add3A_213 = arith.constant 8 : i32
      %add3A_214 = arith.addi %mul3A_212, %add3A_213 : i32
      %mul3A_215 = arith.constant 128 : i32
      %mul3A_216 = arith.muli %add3A_214, %mul3A_215 : i32
      %dma_start3A_217 = tpu.memref_slice %arg11[%mul3A_216] : memref<53248xf32, #tpu.memory_space<vmem>> -> memref<128xf32, #tpu.memory_space<vmem>>
      %dma_start3A_218 = arith.constant 0 : i32
      %dma_start3A_219 = tpu.memref_slice %arg9[%scan3A_33, %dma_start3A_218] : memref<26x128xi32, #tpu.memory_space<vmem>> -> memref<1x128xi32, #tpu.memory_space<vmem>>
      %dma_start3A_220 = tpu.memref_squeeze %dma_start3A_219 : memref<1x128xi32, #tpu.memory_space<vmem>> -> memref<128xi32, #tpu.memory_space<vmem>>
      %dma_start3A_221 = tpu.memref_slice %arg4[%multiple_of3A_210] : memref<41639936xf32, #tpu.memory_space<hbm>> -> memref<799872xf32, #tpu.memory_space<hbm>>
      %dma_start3A_222 = arith.constant 0 : i32
      %dma_start3A_223 = tpu.memref_slice %dma_start3A_221[%dma_start3A_222] : memref<799872xf32, #tpu.memory_space<hbm>> -> memref<799872xf32, #tpu.memory_space<hbm>>
      tpu.enqueue_indirect_dma source(%dma_start3A_223 : memref<799872xf32, #tpu.memory_space<hbm>>) target(%dma_start3A_217 : memref<128xf32, #tpu.memory_space<vmem>>) offsets(%dma_start3A_220 : memref<128xi32, #tpu.memory_space<vmem>>) semaphore(%arg15 : memref<!tpu.dma_semaphore, #tpu.memory_space<semaphore_mem>>)
      %mul3A_224 = arith.constant 1601536 : i32
      %mul3A_225 = arith.muli %scan3A_33, %mul3A_224 : i32
      %add3A_226 = arith.constant 800768 : i32
      %add3A_227 = arith.addi %mul3A_225, %add3A_226 : i32
      %add3A_228 = arith.constant 128 : i32
      %add3A_229 = arith.addi %add3A_227, %add3A_228 : i32
      %multiple_of3A_230 = tpu.assume_multiple %add3A_229, 8 : i32
      %mul3A_231 = arith.constant 16 : i32
      %mul3A_232 = arith.muli %scan3A_33, %mul3A_231 : i32
      %add3A_233 = arith.constant 9 : i32
      %add3A_234 = arith.addi %mul3A_232, %add3A_233 : i32
      %mul3A_235 = arith.constant 128 : i32
      %mul3A_236 = arith.muli %add3A_234, %mul3A_235 : i32
      %dma_start3A_237 = tpu.memref_slice %arg11[%mul3A_236] : memref<53248xf32, #tpu.memory_space<vmem>> -> memref<128xf32, #tpu.memory_space<vmem>>
      %dma_start3A_238 = arith.constant 0 : i32
      %dma_start3A_239 = tpu.memref_slice %arg9[%scan3A_33, %dma_start3A_238] : memref<26x128xi32, #tpu.memory_space<vmem>> -> memref<1x128xi32, #tpu.memory_space<vmem>>
      %dma_start3A_240 = tpu.memref_squeeze %dma_start3A_239 : memref<1x128xi32, #tpu.memory_space<vmem>> -> memref<128xi32, #tpu.memory_space<vmem>>
      %dma_start3A_241 = tpu.memref_slice %arg4[%multiple_of3A_230] : memref<41639936xf32, #tpu.memory_space<hbm>> -> memref<799872xf32, #tpu.memory_space<hbm>>
      %dma_start3A_242 = arith.constant 0 : i32
      %dma_start3A_243 = tpu.memref_slice %dma_start3A_241[%dma_start3A_242] : memref<799872xf32, #tpu.memory_space<hbm>> -> memref<799872xf32, #tpu.memory_space<hbm>>
      tpu.enqueue_indirect_dma source(%dma_start3A_243 : memref<799872xf32, #tpu.memory_space<hbm>>) target(%dma_start3A_237 : memref<128xf32, #tpu.memory_space<vmem>>) offsets(%dma_start3A_240 : memref<128xi32, #tpu.memory_space<vmem>>) semaphore(%arg15 : memref<!tpu.dma_semaphore, #tpu.memory_space<semaphore_mem>>)
      %mul3A_244 = arith.constant 1601536 : i32
      %mul3A_245 = arith.muli %scan3A_33, %mul3A_244 : i32
      %add3A_246 = arith.constant 800768 : i32
      %add3A_247 = arith.addi %mul3A_245, %add3A_246 : i32
      %add3A_248 = arith.constant 256 : i32
      %add3A_249 = arith.addi %add3A_247, %add3A_248 : i32
      %multiple_of3A_250 = tpu.assume_multiple %add3A_249, 8 : i32
      %mul3A_251 = arith.constant 16 : i32
      %mul3A_252 = arith.muli %scan3A_33, %mul3A_251 : i32
      %add3A_253 = arith.constant 10 : i32
      %add3A_254 = arith.addi %mul3A_252, %add3A_253 : i32
      %mul3A_255 = arith.constant 128 : i32
      %mul3A_256 = arith.muli %add3A_254, %mul3A_255 : i32
      %dma_start3A_257 = tpu.memref_slice %arg11[%mul3A_256] : memref<53248xf32, #tpu.memory_space<vmem>> -> memref<128xf32, #tpu.memory_space<vmem>>
      %dma_start3A_258 = arith.constant 0 : i32
      %dma_start3A_259 = tpu.memref_slice %arg9[%scan3A_33, %dma_start3A_258] : memref<26x128xi32, #tpu.memory_space<vmem>> -> memref<1x128xi32, #tpu.memory_space<vmem>>
      %dma_start3A_260 = tpu.memref_squeeze %dma_start3A_259 : memref<1x128xi32, #tpu.memory_space<vmem>> -> memref<128xi32, #tpu.memory_space<vmem>>
      %dma_start3A_261 = tpu.memref_slice %arg4[%multiple_of3A_250] : memref<41639936xf32, #tpu.memory_space<hbm>> -> memref<799872xf32, #tpu.memory_space<hbm>>
      %dma_start3A_262 = arith.constant 0 : i32
      %dma_start3A_263 = tpu.memref_slice %dma_start3A_261[%dma_start3A_262] : memref<799872xf32, #tpu.memory_space<hbm>> -> memref<799872xf32, #tpu.memory_space<hbm>>
      tpu.enqueue_indirect_dma source(%dma_start3A_263 : memref<799872xf32, #tpu.memory_space<hbm>>) target(%dma_start3A_257 : memref<128xf32, #tpu.memory_space<vmem>>) offsets(%dma_start3A_260 : memref<128xi32, #tpu.memory_space<vmem>>) semaphore(%arg15 : memref<!tpu.dma_semaphore, #tpu.memory_space<semaphore_mem>>)
      %mul3A_264 = arith.constant 1601536 : i32
      %mul3A_265 = arith.muli %scan3A_33, %mul3A_264 : i32
      %add3A_266 = arith.constant 800768 : i32
      %add3A_267 = arith.addi %mul3A_265, %add3A_266 : i32
      %add3A_268 = arith.constant 384 : i32
      %add3A_269 = arith.addi %add3A_267, %add3A_268 : i32
      %multiple_of3A_270 = tpu.assume_multiple %add3A_269, 8 : i32
      %mul3A_271 = arith.constant 16 : i32
      %mul3A_272 = arith.muli %scan3A_33, %mul3A_271 : i32
      %add3A_273 = arith.constant 11 : i32
      %add3A_274 = arith.addi %mul3A_272, %add3A_273 : i32
      %mul3A_275 = arith.constant 128 : i32
      %mul3A_276 = arith.muli %add3A_274, %mul3A_275 : i32
      %dma_start3A_277 = tpu.memref_slice %arg11[%mul3A_276] : memref<53248xf32, #tpu.memory_space<vmem>> -> memref<128xf32, #tpu.memory_space<vmem>>
      %dma_start3A_278 = arith.constant 0 : i32
      %dma_start3A_279 = tpu.memref_slice %arg9[%scan3A_33, %dma_start3A_278] : memref<26x128xi32, #tpu.memory_space<vmem>> -> memref<1x128xi32, #tpu.memory_space<vmem>>
      %dma_start3A_280 = tpu.memref_squeeze %dma_start3A_279 : memref<1x128xi32, #tpu.memory_space<vmem>> -> memref<128xi32, #tpu.memory_space<vmem>>
      %dma_start3A_281 = tpu.memref_slice %arg4[%multiple_of3A_270] : memref<41639936xf32, #tpu.memory_space<hbm>> -> memref<799872xf32, #tpu.memory_space<hbm>>
      %dma_start3A_282 = arith.constant 0 : i32
      %dma_start3A_283 = tpu.memref_slice %dma_start3A_281[%dma_start3A_282] : memref<799872xf32, #tpu.memory_space<hbm>> -> memref<799872xf32, #tpu.memory_space<hbm>>
      tpu.enqueue_indirect_dma source(%dma_start3A_283 : memref<799872xf32, #tpu.memory_space<hbm>>) target(%dma_start3A_277 : memref<128xf32, #tpu.memory_space<vmem>>) offsets(%dma_start3A_280 : memref<128xi32, #tpu.memory_space<vmem>>) semaphore(%arg15 : memref<!tpu.dma_semaphore, #tpu.memory_space<semaphore_mem>>)
      %mul3A_284 = arith.constant 1601536 : i32
      %mul3A_285 = arith.muli %scan3A_33, %mul3A_284 : i32
      %add3A_286 = arith.constant 800768 : i32
      %add3A_287 = arith.addi %mul3A_285, %add3A_286 : i32
      %add3A_288 = arith.constant 512 : i32
      %add3A_289 = arith.addi %add3A_287, %add3A_288 : i32
      %multiple_of3A_290 = tpu.assume_multiple %add3A_289, 8 : i32
      %mul3A_291 = arith.constant 16 : i32
      %mul3A_292 = arith.muli %scan3A_33, %mul3A_291 : i32
      %add3A_293 = arith.constant 12 : i32
      %add3A_294 = arith.addi %mul3A_292, %add3A_293 : i32
      %mul3A_295 = arith.constant 128 : i32
      %mul3A_296 = arith.muli %add3A_294, %mul3A_295 : i32
      %dma_start3A_297 = tpu.memref_slice %arg11[%mul3A_296] : memref<53248xf32, #tpu.memory_space<vmem>> -> memref<128xf32, #tpu.memory_space<vmem>>
      %dma_start3A_298 = arith.constant 0 : i32
      %dma_start3A_299 = tpu.memref_slice %arg9[%scan3A_33, %dma_start3A_298] : memref<26x128xi32, #tpu.memory_space<vmem>> -> memref<1x128xi32, #tpu.memory_space<vmem>>
      %dma_start3A_300 = tpu.memref_squeeze %dma_start3A_299 : memref<1x128xi32, #tpu.memory_space<vmem>> -> memref<128xi32, #tpu.memory_space<vmem>>
      %dma_start3A_301 = tpu.memref_slice %arg4[%multiple_of3A_290] : memref<41639936xf32, #tpu.memory_space<hbm>> -> memref<799872xf32, #tpu.memory_space<hbm>>
      %dma_start3A_302 = arith.constant 0 : i32
      %dma_start3A_303 = tpu.memref_slice %dma_start3A_301[%dma_start3A_302] : memref<799872xf32, #tpu.memory_space<hbm>> -> memref<799872xf32, #tpu.memory_space<hbm>>
      tpu.enqueue_indirect_dma source(%dma_start3A_303 : memref<799872xf32, #tpu.memory_space<hbm>>) target(%dma_start3A_297 : memref<128xf32, #tpu.memory_space<vmem>>) offsets(%dma_start3A_300 : memref<128xi32, #tpu.memory_space<vmem>>) semaphore(%arg15 : memref<!tpu.dma_semaphore, #tpu.memory_space<semaphore_mem>>)
      %mul3A_304 = arith.constant 1601536 : i32
      %mul3A_305 = arith.muli %scan3A_33, %mul3A_304 : i32
      %add3A_306 = arith.constant 800768 : i32
      %add3A_307 = arith.addi %mul3A_305, %add3A_306 : i32
      %add3A_308 = arith.constant 640 : i32
      %add3A_309 = arith.addi %add3A_307, %add3A_308 : i32
      %multiple_of3A_310 = tpu.assume_multiple %add3A_309, 8 : i32
      %mul3A_311 = arith.constant 16 : i32
      %mul3A_312 = arith.muli %scan3A_33, %mul3A_311 : i32
      %add3A_313 = arith.constant 13 : i32
      %add3A_314 = arith.addi %mul3A_312, %add3A_313 : i32
      %mul3A_315 = arith.constant 128 : i32
      %mul3A_316 = arith.muli %add3A_314, %mul3A_315 : i32
      %dma_start3A_317 = tpu.memref_slice %arg11[%mul3A_316] : memref<53248xf32, #tpu.memory_space<vmem>> -> memref<128xf32, #tpu.memory_space<vmem>>
      %dma_start3A_318 = arith.constant 0 : i32
      %dma_start3A_319 = tpu.memref_slice %arg9[%scan3A_33, %dma_start3A_318] : memref<26x128xi32, #tpu.memory_space<vmem>> -> memref<1x128xi32, #tpu.memory_space<vmem>>
      %dma_start3A_320 = tpu.memref_squeeze %dma_start3A_319 : memref<1x128xi32, #tpu.memory_space<vmem>> -> memref<128xi32, #tpu.memory_space<vmem>>
      %dma_start3A_321 = tpu.memref_slice %arg4[%multiple_of3A_310] : memref<41639936xf32, #tpu.memory_space<hbm>> -> memref<799872xf32, #tpu.memory_space<hbm>>
      %dma_start3A_322 = arith.constant 0 : i32
      %dma_start3A_323 = tpu.memref_slice %dma_start3A_321[%dma_start3A_322] : memref<799872xf32, #tpu.memory_space<hbm>> -> memref<799872xf32, #tpu.memory_space<hbm>>
      tpu.enqueue_indirect_dma source(%dma_start3A_323 : memref<799872xf32, #tpu.memory_space<hbm>>) target(%dma_start3A_317 : memref<128xf32, #tpu.memory_space<vmem>>) offsets(%dma_start3A_320 : memref<128xi32, #tpu.memory_space<vmem>>) semaphore(%arg15 : memref<!tpu.dma_semaphore, #tpu.memory_space<semaphore_mem>>)
      %mul3A_324 = arith.constant 1601536 : i32
      %mul3A_325 = arith.muli %scan3A_33, %mul3A_324 : i32
      %add3A_326 = arith.constant 800768 : i32
      %add3A_327 = arith.addi %mul3A_325, %add3A_326 : i32
      %add3A_328 = arith.constant 768 : i32
      %add3A_329 = arith.addi %add3A_327, %add3A_328 : i32
      %multiple_of3A_330 = tpu.assume_multiple %add3A_329, 8 : i32
      %mul3A_331 = arith.constant 16 : i32
      %mul3A_332 = arith.muli %scan3A_33, %mul3A_331 : i32
      %add3A_333 = arith.constant 14 : i32
      %add3A_334 = arith.addi %mul3A_332, %add3A_333 : i32
      %mul3A_335 = arith.constant 128 : i32
      %mul3A_336 = arith.muli %add3A_334, %mul3A_335 : i32
      %dma_start3A_337 = tpu.memref_slice %arg11[%mul3A_336] : memref<53248xf32, #tpu.memory_space<vmem>> -> memref<128xf32, #tpu.memory_space<vmem>>
      %dma_start3A_338 = arith.constant 0 : i32
      %dma_start3A_339 = tpu.memref_slice %arg9[%scan3A_33, %dma_start3A_338] : memref<26x128xi32, #tpu.memory_space<vmem>> -> memref<1x128xi32, #tpu.memory_space<vmem>>
      %dma_start3A_340 = tpu.memref_squeeze %dma_start3A_339 : memref<1x128xi32, #tpu.memory_space<vmem>> -> memref<128xi32, #tpu.memory_space<vmem>>
      %dma_start3A_341 = tpu.memref_slice %arg4[%multiple_of3A_330] : memref<41639936xf32, #tpu.memory_space<hbm>> -> memref<799872xf32, #tpu.memory_space<hbm>>
      %dma_start3A_342 = arith.constant 0 : i32
      %dma_start3A_343 = tpu.memref_slice %dma_start3A_341[%dma_start3A_342] : memref<799872xf32, #tpu.memory_space<hbm>> -> memref<799872xf32, #tpu.memory_space<hbm>>
      tpu.enqueue_indirect_dma source(%dma_start3A_343 : memref<799872xf32, #tpu.memory_space<hbm>>) target(%dma_start3A_337 : memref<128xf32, #tpu.memory_space<vmem>>) offsets(%dma_start3A_340 : memref<128xi32, #tpu.memory_space<vmem>>) semaphore(%arg15 : memref<!tpu.dma_semaphore, #tpu.memory_space<semaphore_mem>>)
      %mul3A_344 = arith.constant 1601536 : i32
      %mul3A_345 = arith.muli %scan3A_33, %mul3A_344 : i32
      %add3A_346 = arith.constant 800768 : i32
      %add3A_347 = arith.addi %mul3A_345, %add3A_346 : i32
      %add3A_348 = arith.constant 896 : i32
      %add3A_349 = arith.addi %add3A_347, %add3A_348 : i32
      %multiple_of3A_350 = tpu.assume_multiple %add3A_349, 8 : i32
      %mul3A_351 = arith.constant 16 : i32
      %mul3A_352 = arith.muli %scan3A_33, %mul3A_351 : i32
      %add3A_353 = arith.constant 15 : i32
      %add3A_354 = arith.addi %mul3A_352, %add3A_353 : i32
      %mul3A_355 = arith.constant 128 : i32
      %mul3A_356 = arith.muli %add3A_354, %mul3A_355 : i32
      %dma_start3A_357 = tpu.memref_slice %arg11[%mul3A_356] : memref<53248xf32, #tpu.memory_space<vmem>> -> memref<128xf32, #tpu.memory_space<vmem>>
      %dma_start3A_358 = arith.constant 0 : i32
      %dma_start3A_359 = tpu.memref_slice %arg9[%scan3A_33, %dma_start3A_358] : memref<26x128xi32, #tpu.memory_space<vmem>> -> memref<1x128xi32, #tpu.memory_space<vmem>>
      %dma_start3A_360 = tpu.memref_squeeze %dma_start3A_359 : memref<1x128xi32, #tpu.memory_space<vmem>> -> memref<128xi32, #tpu.memory_space<vmem>>
      %dma_start3A_361 = tpu.memref_slice %arg4[%multiple_of3A_350] : memref<41639936xf32, #tpu.memory_space<hbm>> -> memref<799872xf32, #tpu.memory_space<hbm>>
      %dma_start3A_362 = arith.constant 0 : i32
      %dma_start3A_363 = tpu.memref_slice %dma_start3A_361[%dma_start3A_362] : memref<799872xf32, #tpu.memory_space<hbm>> -> memref<799872xf32, #tpu.memory_space<hbm>>
      tpu.enqueue_indirect_dma source(%dma_start3A_363 : memref<799872xf32, #tpu.memory_space<hbm>>) target(%dma_start3A_357 : memref<128xf32, #tpu.memory_space<vmem>>) offsets(%dma_start3A_360 : memref<128xi32, #tpu.memory_space<vmem>>) semaphore(%arg15 : memref<!tpu.dma_semaphore, #tpu.memory_space<semaphore_mem>>)
    }
    %scan3A_13 = arith.constant 26 : i32
    %dma_wait3A = arith.constant 0 : i32
    %dma_wait3A_14 = tpu.memref_slice %arg4[%dma_wait3A] : memref<41639936xf32, #tpu.memory_space<hbm>> -> memref<53248xf32, #tpu.memory_space<hbm>>
    %dma_wait3A_15 = arith.constant 0 : i32
    %dma_wait3A_16 = tpu.memref_slice %arg4[%dma_wait3A_15] : memref<41639936xf32, #tpu.memory_space<hbm>> -> memref<53248xf32, #tpu.memory_space<hbm>>
    tpu.wait_dma2 semaphore(%arg15 : memref<!tpu.dma_semaphore, #tpu.memory_space<semaphore_mem>>) src(%dma_wait3A_16 : memref<53248xf32, #tpu.memory_space<hbm>>) dst(%arg11 : memref<53248xf32, #tpu.memory_space<vmem>>)
    %dma_wait3A_17 = arith.constant 0 : i32
    %dma_wait3A_18 = tpu.memref_slice %arg4[%dma_wait3A_17] : memref<41639936xf32, #tpu.memory_space<hbm>> -> memref<3328xf32, #tpu.memory_space<hbm>>
    %dma_wait3A_19 = arith.constant 0 : i32
    %dma_wait3A_20 = tpu.memref_slice %arg4[%dma_wait3A_19] : memref<41639936xf32, #tpu.memory_space<hbm>> -> memref<3328xf32, #tpu.memory_space<hbm>>
    tpu.wait_dma2 semaphore(%arg16 : memref<!tpu.dma_semaphore, #tpu.memory_space<semaphore_mem>>) src(%dma_wait3A_20 : memref<3328xf32, #tpu.memory_space<hbm>>) dst(%arg12 : memref<3328xf32, #tpu.memory_space<vmem>>)
    %scan3A_21 = arith.constant 0 : i32
    %scan3A_22 = arith.constant 0 : i32
    %scan3A_23 = arith.constant 128 : i32
    %scan3A_24 = arith.addi %scan3A_22, %scan3A_23 : i32
    %scan3A_25 = arith.constant 1 : i32
    scf.for %scan3A_33 = %scan3A_22 to %scan3A_24 step %scan3A_25  : i32 {
      %jit3A = arith.constant 8 : i32
      %div3A = arith.divsi %scan3A_33, %jit3A : i32
      %sign3A = arith.constant 0 : i32
      %sign3A_34 = arith.cmpi sgt, %scan3A_33, %sign3A : i32
      %sign3A_35 = arith.extui %sign3A_34 : i1 to i32
      %sign3A_36 = arith.constant 0 : i32
      %sign3A_37 = arith.cmpi slt, %scan3A_33, %sign3A_36 : i32
      %sign3A_38 = arith.extui %sign3A_37 : i1 to i32
      %sign3A_39 = arith.subi %sign3A_35, %sign3A_38 : i32
      %sign3A_40 = arith.constant 0 : i32
      %sign3A_41 = arith.cmpi sgt, %jit3A, %sign3A_40 : i32
      %sign3A_42 = arith.extui %sign3A_41 : i1 to i32
      %sign3A_43 = arith.constant 0 : i32
      %sign3A_44 = arith.cmpi slt, %jit3A, %sign3A_43 : i32
      %sign3A_45 = arith.extui %sign3A_44 : i1 to i32
      %sign3A_46 = arith.subi %sign3A_42, %sign3A_45 : i32
      %ne3A = arith.cmpi ne, %sign3A_39, %sign3A_46 : i32
      %rem3A = arith.remsi %scan3A_33, %jit3A : i32
      %ne3A_47 = arith.constant 0 : i32
      %ne3A_48 = arith.cmpi ne, %rem3A, %ne3A_47 : i32
      %and3A = arith.andi %ne3A, %ne3A_48 : i1
      %sub3A = arith.constant 1 : i32
      %sub3A_49 = arith.subi %div3A, %sub3A : i32
      %select_n3A = arith.select %and3A, %sub3A_49, %div3A : i32
      %jit3A_50 = arith.constant 8 : i32
      %eq3A = arith.constant 0 : i32
      %eq3A_51 = arith.cmpi eq, %jit3A_50, %eq3A : i32
      %jit3A_52 = arith.constant 1 : i32
      %select_n3A_53 = arith.select %eq3A_51, %jit3A_52, %jit3A_50 : i32
      %rem3A_54 = arith.remsi %scan3A_33, %select_n3A_53 : i32
      %ne3A_55 = arith.constant 0 : i32
      %ne3A_56 = arith.cmpi ne, %rem3A_54, %ne3A_55 : i32
      %lt3A = arith.constant 0 : i32
      %lt3A_57 = arith.cmpi slt, %rem3A_54, %lt3A : i32
      %lt3A_58 = arith.constant 0 : i32
      %lt3A_59 = arith.cmpi slt, %select_n3A_53, %lt3A_58 : i32
      %ne3A_60 = arith.xori %lt3A_57, %lt3A_59 : i1
      %and3A_61 = arith.andi %ne3A_60, %ne3A_56 : i1
      %add3A_62 = arith.addi %rem3A_54, %select_n3A_53 : i32
      %select_n3A_63 = arith.select %and3A_61, %add3A_62, %rem3A_54 : i32
      %mul3A_64 = arith.constant 16 : i32
      %mul3A_65 = arith.muli %select_n3A_63, %mul3A_64 : i32
      %broadcast_in_dim3A = arith.constant 0.000000e+00 : f32
      %broadcast_in_dim3A_66 = vector.broadcast %broadcast_in_dim3A : f32 to vector<16xf32>
      %broadcast_in_dim3A_67 = arith.constant 0.000000e+00 : f32
      %broadcast_in_dim3A_68 = vector.broadcast %broadcast_in_dim3A_67 : f32 to vector<16xf32>
      %add3A_69 = arith.constant 0 : i32
      %add3A_70 = arith.addi %add3A_69, %select_n3A : i32
      %mul3A_71 = arith.constant 128 : i32
      %mul3A_72 = arith.muli %add3A_70, %mul3A_71 : i32
      %add3A_73 = arith.addi %mul3A_72, %mul3A_65 : i32
      %get3A = arith.index_cast %add3A_73 : i32 to index
      %get3A_74 = tpu.vector_load %arg11[%get3A] {strides = array<i32>} : memref<53248xf32, #tpu.memory_space<vmem>>, vector<16xf32>,
      %get3A_75 = vector.shape_cast %get3A_74 : vector<16xf32> to vector<16xf32>
      %get3A_76 = arith.constant 0 : i32
      %get3A_77 = arith.index_cast %get3A_76 : i32 to index
      %get3A_78 = arith.index_cast %mul3A_65 : i32 to index
      %get3A_79 = tpu.vector_load %arg10[%get3A_77, %get3A_78] {strides = array<i32>} : memref<26x128xf32, #tpu.memory_space<vmem>>, vector<1x16xf32>,
      %get3A_80 = vector.shape_cast %get3A_79 : vector<1x16xf32> to vector<16xf32>
      %mul3A_81 = arith.mulf %get3A_75, %get3A_80 : vector<16xf32>
      %add3A_82 = arith.addf %broadcast_in_dim3A_66, %mul3A_81 : vector<16xf32>
      %mul3A_83 = arith.mulf %mul3A_81, %mul3A_81 : vector<16xf32>
      %add3A_84 = arith.addf %broadcast_in_dim3A_68, %mul3A_83 : vector<16xf32>
      %add3A_85 = arith.constant 16 : i32
      %add3A_86 = arith.addi %add3A_85, %select_n3A : i32
      %mul3A_87 = arith.constant 128 : i32
      %mul3A_88 = arith.muli %add3A_86, %mul3A_87 : i32
      %add3A_89 = arith.addi %mul3A_88, %mul3A_65 : i32
      %get3A_90 = arith.index_cast %add3A_89 : i32 to index
      %get3A_91 = tpu.vector_load %arg11[%get3A_90] {strides = array<i32>} : memref<53248xf32, #tpu.memory_space<vmem>>, vector<16xf32>,
      %get3A_92 = vector.shape_cast %get3A_91 : vector<16xf32> to vector<16xf32>
      %get3A_93 = arith.constant 1 : i32
      %get3A_94 = arith.index_cast %get3A_93 : i32 to index
      %get3A_95 = arith.index_cast %mul3A_65 : i32 to index
      %get3A_96 = tpu.vector_load %arg10[%get3A_94, %get3A_95] {strides = array<i32>} : memref<26x128xf32, #tpu.memory_space<vmem>>, vector<1x16xf32>,
      %get3A_97 = vector.shape_cast %get3A_96 : vector<1x16xf32> to vector<16xf32>
      %mul3A_98 = arith.mulf %get3A_92, %get3A_97 : vector<16xf32>
      %add3A_99 = arith.addf %add3A_82, %mul3A_98 : vector<16xf32>
      %mul3A_100 = arith.mulf %mul3A_98, %mul3A_98 : vector<16xf32>
      %add3A_101 = arith.addf %add3A_84, %mul3A_100 : vector<16xf32>
      %add3A_102 = arith.constant 32 : i32
      %add3A_103 = arith.addi %add3A_102, %select_n3A : i32
      %mul3A_104 = arith.constant 128 : i32
      %mul3A_105 = arith.muli %add3A_103, %mul3A_104 : i32
      %add3A_106 = arith.addi %mul3A_105, %mul3A_65 : i32
      %get3A_107 = arith.index_cast %add3A_106 : i32 to index
      %get3A_108 = tpu.vector_load %arg11[%get3A_107] {strides = array<i32>} : memref<53248xf32, #tpu.memory_space<vmem>>, vector<16xf32>,
      %get3A_109 = vector.shape_cast %get3A_108 : vector<16xf32> to vector<16xf32>
      %get3A_110 = arith.constant 2 : i32
      %get3A_111 = arith.index_cast %get3A_110 : i32 to index
      %get3A_112 = arith.index_cast %mul3A_65 : i32 to index
      %get3A_113 = tpu.vector_load %arg10[%get3A_111, %get3A_112] {strides = array<i32>} : memref<26x128xf32, #tpu.memory_space<vmem>>, vector<1x16xf32>,
      %get3A_114 = vector.shape_cast %get3A_113 : vector<1x16xf32> to vector<16xf32>
      %mul3A_115 = arith.mulf %get3A_109, %get3A_114 : vector<16xf32>
      %add3A_116 = arith.addf %add3A_99, %mul3A_115 : vector<16xf32>
      %mul3A_117 = arith.mulf %mul3A_115, %mul3A_115 : vector<16xf32>
      %add3A_118 = arith.addf %add3A_101, %mul3A_117 : vector<16xf32>
      %add3A_119 = arith.constant 48 : i32
      %add3A_120 = arith.addi %add3A_119, %select_n3A : i32
      %mul3A_121 = arith.constant 128 : i32
      %mul3A_122 = arith.muli %add3A_120, %mul3A_121 : i32
      %add3A_123 = arith.addi %mul3A_122, %mul3A_65 : i32
      %get3A_124 = arith.index_cast %add3A_123 : i32 to index
      %get3A_125 = tpu.vector_load %arg11[%get3A_124] {strides = array<i32>} : memref<53248xf32, #tpu.memory_space<vmem>>, vector<16xf32>,
      %get3A_126 = vector.shape_cast %get3A_125 : vector<16xf32> to vector<16xf32>
      %get3A_127 = arith.constant 3 : i32
      %get3A_128 = arith.index_cast %get3A_127 : i32 to index
      %get3A_129 = arith.index_cast %mul3A_65 : i32 to index
      %get3A_130 = tpu.vector_load %arg10[%get3A_128, %get3A_129] {strides = array<i32>} : memref<26x128xf32, #tpu.memory_space<vmem>>, vector<1x16xf32>,
      %get3A_131 = vector.shape_cast %get3A_130 : vector<1x16xf32> to vector<16xf32>
      %mul3A_132 = arith.mulf %get3A_126, %get3A_131 : vector<16xf32>
      %add3A_133 = arith.addf %add3A_116, %mul3A_132 : vector<16xf32>
      %mul3A_134 = arith.mulf %mul3A_132, %mul3A_132 : vector<16xf32>
      %add3A_135 = arith.addf %add3A_118, %mul3A_134 : vector<16xf32>
      %add3A_136 = arith.constant 64 : i32
      %add3A_137 = arith.addi %add3A_136, %select_n3A : i32
      %mul3A_138 = arith.constant 128 : i32
      %mul3A_139 = arith.muli %add3A_137, %mul3A_138 : i32
      %add3A_140 = arith.addi %mul3A_139, %mul3A_65 : i32
      %get3A_141 = arith.index_cast %add3A_140 : i32 to index
      %get3A_142 = tpu.vector_load %arg11[%get3A_141] {strides = array<i32>} : memref<53248xf32, #tpu.memory_space<vmem>>, vector<16xf32>,
      %get3A_143 = vector.shape_cast %get3A_142 : vector<16xf32> to vector<16xf32>
      %get3A_144 = arith.constant 4 : i32
      %get3A_145 = arith.index_cast %get3A_144 : i32 to index
      %get3A_146 = arith.index_cast %mul3A_65 : i32 to index
      %get3A_147 = tpu.vector_load %arg10[%get3A_145, %get3A_146] {strides = array<i32>} : memref<26x128xf32, #tpu.memory_space<vmem>>, vector<1x16xf32>,
      %get3A_148 = vector.shape_cast %get3A_147 : vector<1x16xf32> to vector<16xf32>
      %mul3A_149 = arith.mulf %get3A_143, %get3A_148 : vector<16xf32>
      %add3A_150 = arith.addf %add3A_133, %mul3A_149 : vector<16xf32>
      %mul3A_151 = arith.mulf %mul3A_149, %mul3A_149 : vector<16xf32>
      %add3A_152 = arith.addf %add3A_135, %mul3A_151 : vector<16xf32>
      %add3A_153 = arith.constant 80 : i32
      %add3A_154 = arith.addi %add3A_153, %select_n3A : i32
      %mul3A_155 = arith.constant 128 : i32
      %mul3A_156 = arith.muli %add3A_154, %mul3A_155 : i32
      %add3A_157 = arith.addi %mul3A_156, %mul3A_65 : i32
      %get3A_158 = arith.index_cast %add3A_157 : i32 to index
      %get3A_159 = tpu.vector_load %arg11[%get3A_158] {strides = array<i32>} : memref<53248xf32, #tpu.memory_space<vmem>>, vector<16xf32>,
      %get3A_160 = vector.shape_cast %get3A_159 : vector<16xf32> to vector<16xf32>
      %get3A_161 = arith.constant 5 : i32
      %get3A_162 = arith.index_cast %get3A_161 : i32 to index
      %get3A_163 = arith.index_cast %mul3A_65 : i32 to index
      %get3A_164 = tpu.vector_load %arg10[%get3A_162, %get3A_163] {strides = array<i32>} : memref<26x128xf32, #tpu.memory_space<vmem>>, vector<1x16xf32>,
      %get3A_165 = vector.shape_cast %get3A_164 : vector<1x16xf32> to vector<16xf32>
      %mul3A_166 = arith.mulf %get3A_160, %get3A_165 : vector<16xf32>
      %add3A_167 = arith.addf %add3A_150, %mul3A_166 : vector<16xf32>
      %mul3A_168 = arith.mulf %mul3A_166, %mul3A_166 : vector<16xf32>
      %add3A_169 = arith.addf %add3A_152, %mul3A_168 : vector<16xf32>
      %add3A_170 = arith.constant 96 : i32
      %add3A_171 = arith.addi %add3A_170, %select_n3A : i32
      %mul3A_172 = arith.constant 128 : i32
      %mul3A_173 = arith.muli %add3A_171, %mul3A_172 : i32
      %add3A_174 = arith.addi %mul3A_173, %mul3A_65 : i32
      %get3A_175 = arith.index_cast %add3A_174 : i32 to index
      %get3A_176 = tpu.vector_load %arg11[%get3A_175] {strides = array<i32>} : memref<53248xf32, #tpu.memory_space<vmem>>, vector<16xf32>,
      %get3A_177 = vector.shape_cast %get3A_176 : vector<16xf32> to vector<16xf32>
      %get3A_178 = arith.constant 6 : i32
      %get3A_179 = arith.index_cast %get3A_178 : i32 to index
      %get3A_180 = arith.index_cast %mul3A_65 : i32 to index
      %get3A_181 = tpu.vector_load %arg10[%get3A_179, %get3A_180] {strides = array<i32>} : memref<26x128xf32, #tpu.memory_space<vmem>>, vector<1x16xf32>,
      %get3A_182 = vector.shape_cast %get3A_181 : vector<1x16xf32> to vector<16xf32>
      %mul3A_183 = arith.mulf %get3A_177, %get3A_182 : vector<16xf32>
      %add3A_184 = arith.addf %add3A_167, %mul3A_183 : vector<16xf32>
      %mul3A_185 = arith.mulf %mul3A_183, %mul3A_183 : vector<16xf32>
      %add3A_186 = arith.addf %add3A_169, %mul3A_185 : vector<16xf32>
      %add3A_187 = arith.constant 112 : i32
      %add3A_188 = arith.addi %add3A_187, %select_n3A : i32
      %mul3A_189 = arith.constant 128 : i32
      %mul3A_190 = arith.muli %add3A_188, %mul3A_189 : i32
      %add3A_191 = arith.addi %mul3A_190, %mul3A_65 : i32
      %get3A_192 = arith.index_cast %add3A_191 : i32 to index
      %get3A_193 = tpu.vector_load %arg11[%get3A_192] {strides = array<i32>} : memref<53248xf32, #tpu.memory_space<vmem>>, vector<16xf32>,
      %get3A_194 = vector.shape_cast %get3A_193 : vector<16xf32> to vector<16xf32>
      %get3A_195 = arith.constant 7 : i32
      %get3A_196 = arith.index_cast %get3A_195 : i32 to index
      %get3A_197 = arith.index_cast %mul3A_65 : i32 to index
      %get3A_198 = tpu.vector_load %arg10[%get3A_196, %get3A_197] {strides = array<i32>} : memref<26x128xf32, #tpu.memory_space<vmem>>, vector<1x16xf32>,
      %get3A_199 = vector.shape_cast %get3A_198 : vector<1x16xf32> to vector<16xf32>
      %mul3A_200 = arith.mulf %get3A_194, %get3A_199 : vector<16xf32>
      %add3A_201 = arith.addf %add3A_184, %mul3A_200 : vector<16xf32>
      %mul3A_202 = arith.mulf %mul3A_200, %mul3A_200 : vector<16xf32>
      %add3A_203 = arith.addf %add3A_186, %mul3A_202 : vector<16xf32>
      %add3A_204 = arith.constant 128 : i32
      %add3A_205 = arith.addi %add3A_204, %select_n3A : i32
      %mul3A_206 = arith.constant 128 : i32
      %mul3A_207 = arith.muli %add3A_205, %mul3A_206 : i32
      %add3A_208 = arith.addi %mul3A_207, %mul3A_65 : i32
      %get3A_209 = arith.index_cast %add3A_208 : i32 to index
      %get3A_210 = tpu.vector_load %arg11[%get3A_209] {strides = array<i32>} : memref<53248xf32, #tpu.memory_space<vmem>>, vector<16xf32>,
      %get3A_211 = vector.shape_cast %get3A_210 : vector<16xf32> to vector<16xf32>
      %get3A_212 = arith.constant 8 : i32
      %get3A_213 = arith.index_cast %get3A_212 : i32 to index
      %get3A_214 = arith.index_cast %mul3A_65 : i32 to index
      %get3A_215 = tpu.vector_load %arg10[%get3A_213, %get3A_214] {strides = array<i32>} : memref<26x128xf32, #tpu.memory_space<vmem>>, vector<1x16xf32>,
      %get3A_216 = vector.shape_cast %get3A_215 : vector<1x16xf32> to vector<16xf32>
      %mul3A_217 = arith.mulf %get3A_211, %get3A_216 : vector<16xf32>
      %add3A_218 = arith.addf %add3A_201, %mul3A_217 : vector<16xf32>
      %mul3A_219 = arith.mulf %mul3A_217, %mul3A_217 : vector<16xf32>
      %add3A_220 = arith.addf %add3A_203, %mul3A_219 : vector<16xf32>
      %add3A_221 = arith.constant 144 : i32
      %add3A_222 = arith.addi %add3A_221, %select_n3A : i32
      %mul3A_223 = arith.constant 128 : i32
      %mul3A_224 = arith.muli %add3A_222, %mul3A_223 : i32
      %add3A_225 = arith.addi %mul3A_224, %mul3A_65 : i32
      %get3A_226 = arith.index_cast %add3A_225 : i32 to index
      %get3A_227 = tpu.vector_load %arg11[%get3A_226] {strides = array<i32>} : memref<53248xf32, #tpu.memory_space<vmem>>, vector<16xf32>,
      %get3A_228 = vector.shape_cast %get3A_227 : vector<16xf32> to vector<16xf32>
      %get3A_229 = arith.constant 9 : i32
      %get3A_230 = arith.index_cast %get3A_229 : i32 to index
      %get3A_231 = arith.index_cast %mul3A_65 : i32 to index
      %get3A_232 = tpu.vector_load %arg10[%get3A_230, %get3A_231] {strides = array<i32>} : memref<26x128xf32, #tpu.memory_space<vmem>>, vector<1x16xf32>,
      %get3A_233 = vector.shape_cast %get3A_232 : vector<1x16xf32> to vector<16xf32>
      %mul3A_234 = arith.mulf %get3A_228, %get3A_233 : vector<16xf32>
      %add3A_235 = arith.addf %add3A_218, %mul3A_234 : vector<16xf32>
      %mul3A_236 = arith.mulf %mul3A_234, %mul3A_234 : vector<16xf32>
      %add3A_237 = arith.addf %add3A_220, %mul3A_236 : vector<16xf32>
      %add3A_238 = arith.constant 160 : i32
      %add3A_239 = arith.addi %add3A_238, %select_n3A : i32
      %mul3A_240 = arith.constant 128 : i32
      %mul3A_241 = arith.muli %add3A_239, %mul3A_240 : i32
      %add3A_242 = arith.addi %mul3A_241, %mul3A_65 : i32
      %get3A_243 = arith.index_cast %add3A_242 : i32 to index
      %get3A_244 = tpu.vector_load %arg11[%get3A_243] {strides = array<i32>} : memref<53248xf32, #tpu.memory_space<vmem>>, vector<16xf32>,
      %get3A_245 = vector.shape_cast %get3A_244 : vector<16xf32> to vector<16xf32>
      %get3A_246 = arith.constant 10 : i32
      %get3A_247 = arith.index_cast %get3A_246 : i32 to index
      %get3A_248 = arith.index_cast %mul3A_65 : i32 to index
      %get3A_249 = tpu.vector_load %arg10[%get3A_247, %get3A_248] {strides = array<i32>} : memref<26x128xf32, #tpu.memory_space<vmem>>, vector<1x16xf32>,
      %get3A_250 = vector.shape_cast %get3A_249 : vector<1x16xf32> to vector<16xf32>
      %mul3A_251 = arith.mulf %get3A_245, %get3A_250 : vector<16xf32>
      %add3A_252 = arith.addf %add3A_235, %mul3A_251 : vector<16xf32>
      %mul3A_253 = arith.mulf %mul3A_251, %mul3A_251 : vector<16xf32>
      %add3A_254 = arith.addf %add3A_237, %mul3A_253 : vector<16xf32>
      %add3A_255 = arith.constant 176 : i32
      %add3A_256 = arith.addi %add3A_255, %select_n3A : i32
      %mul3A_257 = arith.constant 128 : i32
      %mul3A_258 = arith.muli %add3A_256, %mul3A_257 : i32
      %add3A_259 = arith.addi %mul3A_258, %mul3A_65 : i32
      %get3A_260 = arith.index_cast %add3A_259 : i32 to index
      %get3A_261 = tpu.vector_load %arg11[%get3A_260] {strides = array<i32>} : memref<53248xf32, #tpu.memory_space<vmem>>, vector<16xf32>,
      %get3A_262 = vector.shape_cast %get3A_261 : vector<16xf32> to vector<16xf32>
      %get3A_263 = arith.constant 11 : i32
      %get3A_264 = arith.index_cast %get3A_263 : i32 to index
      %get3A_265 = arith.index_cast %mul3A_65 : i32 to index
      %get3A_266 = tpu.vector_load %arg10[%get3A_264, %get3A_265] {strides = array<i32>} : memref<26x128xf32, #tpu.memory_space<vmem>>, vector<1x16xf32>,
      %get3A_267 = vector.shape_cast %get3A_266 : vector<1x16xf32> to vector<16xf32>
      %mul3A_268 = arith.mulf %get3A_262, %get3A_267 : vector<16xf32>
      %add3A_269 = arith.addf %add3A_252, %mul3A_268 : vector<16xf32>
      %mul3A_270 = arith.mulf %mul3A_268, %mul3A_268 : vector<16xf32>
      %add3A_271 = arith.addf %add3A_254, %mul3A_270 : vector<16xf32>
      %add3A_272 = arith.constant 192 : i32
      %add3A_273 = arith.addi %add3A_272, %select_n3A : i32
      %mul3A_274 = arith.constant 128 : i32
      %mul3A_275 = arith.muli %add3A_273, %mul3A_274 : i32
      %add3A_276 = arith.addi %mul3A_275, %mul3A_65 : i32
      %get3A_277 = arith.index_cast %add3A_276 : i32 to index
      %get3A_278 = tpu.vector_load %arg11[%get3A_277] {strides = array<i32>} : memref<53248xf32, #tpu.memory_space<vmem>>, vector<16xf32>,
      %get3A_279 = vector.shape_cast %get3A_278 : vector<16xf32> to vector<16xf32>
      %get3A_280 = arith.constant 12 : i32
      %get3A_281 = arith.index_cast %get3A_280 : i32 to index
      %get3A_282 = arith.index_cast %mul3A_65 : i32 to index
      %get3A_283 = tpu.vector_load %arg10[%get3A_281, %get3A_282] {strides = array<i32>} : memref<26x128xf32, #tpu.memory_space<vmem>>, vector<1x16xf32>,
      %get3A_284 = vector.shape_cast %get3A_283 : vector<1x16xf32> to vector<16xf32>
      %mul3A_285 = arith.mulf %get3A_279, %get3A_284 : vector<16xf32>
      %add3A_286 = arith.addf %add3A_269, %mul3A_285 : vector<16xf32>
      %mul3A_287 = arith.mulf %mul3A_285, %mul3A_285 : vector<16xf32>
      %add3A_288 = arith.addf %add3A_271, %mul3A_287 : vector<16xf32>
      %add3A_289 = arith.constant 208 : i32
      %add3A_290 = arith.addi %add3A_289, %select_n3A : i32
      %mul3A_291 = arith.constant 128 : i32
      %mul3A_292 = arith.muli %add3A_290, %mul3A_291 : i32
      %add3A_293 = arith.addi %mul3A_292, %mul3A_65 : i32
      %get3A_294 = arith.index_cast %add3A_293 : i32 to index
      %get3A_295 = tpu.vector_load %arg11[%get3A_294] {strides = array<i32>} : memref<53248xf32, #tpu.memory_space<vmem>>, vector<16xf32>,
      %get3A_296 = vector.shape_cast %get3A_295 : vector<16xf32> to vector<16xf32>
      %get3A_297 = arith.constant 13 : i32
      %get3A_298 = arith.index_cast %get3A_297 : i32 to index
      %get3A_299 = arith.index_cast %mul3A_65 : i32 to index
      %get3A_300 = tpu.vector_load %arg10[%get3A_298, %get3A_299] {strides = array<i32>} : memref<26x128xf32, #tpu.memory_space<vmem>>, vector<1x16xf32>,
      %get3A_301 = vector.shape_cast %get3A_300 : vector<1x16xf32> to vector<16xf32>
      %mul3A_302 = arith.mulf %get3A_296, %get3A_301 : vector<16xf32>
      %add3A_303 = arith.addf %add3A_286, %mul3A_302 : vector<16xf32>
      %mul3A_304 = arith.mulf %mul3A_302, %mul3A_302 : vector<16xf32>
      %add3A_305 = arith.addf %add3A_288, %mul3A_304 : vector<16xf32>
      %add3A_306 = arith.constant 224 : i32
      %add3A_307 = arith.addi %add3A_306, %select_n3A : i32
      %mul3A_308 = arith.constant 128 : i32
      %mul3A_309 = arith.muli %add3A_307, %mul3A_308 : i32
      %add3A_310 = arith.addi %mul3A_309, %mul3A_65 : i32
      %get3A_311 = arith.index_cast %add3A_310 : i32 to index
      %get3A_312 = tpu.vector_load %arg11[%get3A_311] {strides = array<i32>} : memref<53248xf32, #tpu.memory_space<vmem>>, vector<16xf32>,
      %get3A_313 = vector.shape_cast %get3A_312 : vector<16xf32> to vector<16xf32>
      %get3A_314 = arith.constant 14 : i32
      %get3A_315 = arith.index_cast %get3A_314 : i32 to index
      %get3A_316 = arith.index_cast %mul3A_65 : i32 to index
      %get3A_317 = tpu.vector_load %arg10[%get3A_315, %get3A_316] {strides = array<i32>} : memref<26x128xf32, #tpu.memory_space<vmem>>, vector<1x16xf32>,
      %get3A_318 = vector.shape_cast %get3A_317 : vector<1x16xf32> to vector<16xf32>
      %mul3A_319 = arith.mulf %get3A_313, %get3A_318 : vector<16xf32>
      %add3A_320 = arith.addf %add3A_303, %mul3A_319 : vector<16xf32>
      %mul3A_321 = arith.mulf %mul3A_319, %mul3A_319 : vector<16xf32>
      %add3A_322 = arith.addf %add3A_305, %mul3A_321 : vector<16xf32>
      %add3A_323 = arith.constant 240 : i32
      %add3A_324 = arith.addi %add3A_323, %select_n3A : i32
      %mul3A_325 = arith.constant 128 : i32
      %mul3A_326 = arith.muli %add3A_324, %mul3A_325 : i32
      %add3A_327 = arith.addi %mul3A_326, %mul3A_65 : i32
      %get3A_328 = arith.index_cast %add3A_327 : i32 to index
      %get3A_329 = tpu.vector_load %arg11[%get3A_328] {strides = array<i32>} : memref<53248xf32, #tpu.memory_space<vmem>>, vector<16xf32>,
      %get3A_330 = vector.shape_cast %get3A_329 : vector<16xf32> to vector<16xf32>
      %get3A_331 = arith.constant 15 : i32
      %get3A_332 = arith.index_cast %get3A_331 : i32 to index
      %get3A_333 = arith.index_cast %mul3A_65 : i32 to index
      %get3A_334 = tpu.vector_load %arg10[%get3A_332, %get3A_333] {strides = array<i32>} : memref<26x128xf32, #tpu.memory_space<vmem>>, vector<1x16xf32>,
      %get3A_335 = vector.shape_cast %get3A_334 : vector<1x16xf32> to vector<16xf32>
      %mul3A_336 = arith.mulf %get3A_330, %get3A_335 : vector<16xf32>
      %add3A_337 = arith.addf %add3A_320, %mul3A_336 : vector<16xf32>
      %mul3A_338 = arith.mulf %mul3A_336, %mul3A_336 : vector<16xf32>
      %add3A_339 = arith.addf %add3A_322, %mul3A_338 : vector<16xf32>
      %add3A_340 = arith.constant 256 : i32
      %add3A_341 = arith.addi %add3A_340, %select_n3A : i32
      %mul3A_342 = arith.constant 128 : i32
      %mul3A_343 = arith.muli %add3A_341, %mul3A_342 : i32
      %add3A_344 = arith.addi %mul3A_343, %mul3A_65 : i32
      %get3A_345 = arith.index_cast %add3A_344 : i32 to index
      %get3A_346 = tpu.vector_load %arg11[%get3A_345] {strides = array<i32>} : memref<53248xf32, #tpu.memory_space<vmem>>, vector<16xf32>,
      %get3A_347 = vector.shape_cast %get3A_346 : vector<16xf32> to vector<16xf32>
      %get3A_348 = arith.constant 16 : i32
      %get3A_349 = arith.index_cast %get3A_348 : i32 to index
      %get3A_350 = arith.index_cast %mul3A_65 : i32 to index
      %get3A_351 = tpu.vector_load %arg10[%get3A_349, %get3A_350] {strides = array<i32>} : memref<26x128xf32, #tpu.memory_space<vmem>>, vector<1x16xf32>,
      %get3A_352 = vector.shape_cast %get3A_351 : vector<1x16xf32> to vector<16xf32>
      %mul3A_353 = arith.mulf %get3A_347, %get3A_352 : vector<16xf32>
      %add3A_354 = arith.addf %add3A_337, %mul3A_353 : vector<16xf32>
      %mul3A_355 = arith.mulf %mul3A_353, %mul3A_353 : vector<16xf32>
      %add3A_356 = arith.addf %add3A_339, %mul3A_355 : vector<16xf32>
      %add3A_357 = arith.constant 272 : i32
      %add3A_358 = arith.addi %add3A_357, %select_n3A : i32
      %mul3A_359 = arith.constant 128 : i32
      %mul3A_360 = arith.muli %add3A_358, %mul3A_359 : i32
      %add3A_361 = arith.addi %mul3A_360, %mul3A_65 : i32
      %get3A_362 = arith.index_cast %add3A_361 : i32 to index
      %get3A_363 = tpu.vector_load %arg11[%get3A_362] {strides = array<i32>} : memref<53248xf32, #tpu.memory_space<vmem>>, vector<16xf32>,
      %get3A_364 = vector.shape_cast %get3A_363 : vector<16xf32> to vector<16xf32>
      %get3A_365 = arith.constant 17 : i32
      %get3A_366 = arith.index_cast %get3A_365 : i32 to index
      %get3A_367 = arith.index_cast %mul3A_65 : i32 to index
      %get3A_368 = tpu.vector_load %arg10[%get3A_366, %get3A_367] {strides = array<i32>} : memref<26x128xf32, #tpu.memory_space<vmem>>, vector<1x16xf32>,
      %get3A_369 = vector.shape_cast %get3A_368 : vector<1x16xf32> to vector<16xf32>
      %mul3A_370 = arith.mulf %get3A_364, %get3A_369 : vector<16xf32>
      %add3A_371 = arith.addf %add3A_354, %mul3A_370 : vector<16xf32>
      %mul3A_372 = arith.mulf %mul3A_370, %mul3A_370 : vector<16xf32>
      %add3A_373 = arith.addf %add3A_356, %mul3A_372 : vector<16xf32>
      %add3A_374 = arith.constant 288 : i32
      %add3A_375 = arith.addi %add3A_374, %select_n3A : i32
      %mul3A_376 = arith.constant 128 : i32
      %mul3A_377 = arith.muli %add3A_375, %mul3A_376 : i32
      %add3A_378 = arith.addi %mul3A_377, %mul3A_65 : i32
      %get3A_379 = arith.index_cast %add3A_378 : i32 to index
      %get3A_380 = tpu.vector_load %arg11[%get3A_379] {strides = array<i32>} : memref<53248xf32, #tpu.memory_space<vmem>>, vector<16xf32>,
      %get3A_381 = vector.shape_cast %get3A_380 : vector<16xf32> to vector<16xf32>
      %get3A_382 = arith.constant 18 : i32
      %get3A_383 = arith.index_cast %get3A_382 : i32 to index
      %get3A_384 = arith.index_cast %mul3A_65 : i32 to index
      %get3A_385 = tpu.vector_load %arg10[%get3A_383, %get3A_384] {strides = array<i32>} : memref<26x128xf32, #tpu.memory_space<vmem>>, vector<1x16xf32>,
      %get3A_386 = vector.shape_cast %get3A_385 : vector<1x16xf32> to vector<16xf32>
      %mul3A_387 = arith.mulf %get3A_381, %get3A_386 : vector<16xf32>
      %add3A_388 = arith.addf %add3A_371, %mul3A_387 : vector<16xf32>
      %mul3A_389 = arith.mulf %mul3A_387, %mul3A_387 : vector<16xf32>
      %add3A_390 = arith.addf %add3A_373, %mul3A_389 : vector<16xf32>
      %add3A_391 = arith.constant 304 : i32
      %add3A_392 = arith.addi %add3A_391, %select_n3A : i32
      %mul3A_393 = arith.constant 128 : i32
      %mul3A_394 = arith.muli %add3A_392, %mul3A_393 : i32
      %add3A_395 = arith.addi %mul3A_394, %mul3A_65 : i32
      %get3A_396 = arith.index_cast %add3A_395 : i32 to index
      %get3A_397 = tpu.vector_load %arg11[%get3A_396] {strides = array<i32>} : memref<53248xf32, #tpu.memory_space<vmem>>, vector<16xf32>,
      %get3A_398 = vector.shape_cast %get3A_397 : vector<16xf32> to vector<16xf32>
      %get3A_399 = arith.constant 19 : i32
      %get3A_400 = arith.index_cast %get3A_399 : i32 to index
      %get3A_401 = arith.index_cast %mul3A_65 : i32 to index
      %get3A_402 = tpu.vector_load %arg10[%get3A_400, %get3A_401] {strides = array<i32>} : memref<26x128xf32, #tpu.memory_space<vmem>>, vector<1x16xf32>,
      %get3A_403 = vector.shape_cast %get3A_402 : vector<1x16xf32> to vector<16xf32>
      %mul3A_404 = arith.mulf %get3A_398, %get3A_403 : vector<16xf32>
      %add3A_405 = arith.addf %add3A_388, %mul3A_404 : vector<16xf32>
      %mul3A_406 = arith.mulf %mul3A_404, %mul3A_404 : vector<16xf32>
      %add3A_407 = arith.addf %add3A_390, %mul3A_406 : vector<16xf32>
      %add3A_408 = arith.constant 320 : i32
      %add3A_409 = arith.addi %add3A_408, %select_n3A : i32
      %mul3A_410 = arith.constant 128 : i32
      %mul3A_411 = arith.muli %add3A_409, %mul3A_410 : i32
      %add3A_412 = arith.addi %mul3A_411, %mul3A_65 : i32
      %get3A_413 = arith.index_cast %add3A_412 : i32 to index
      %get3A_414 = tpu.vector_load %arg11[%get3A_413] {strides = array<i32>} : memref<53248xf32, #tpu.memory_space<vmem>>, vector<16xf32>,
      %get3A_415 = vector.shape_cast %get3A_414 : vector<16xf32> to vector<16xf32>
      %get3A_416 = arith.constant 20 : i32
      %get3A_417 = arith.index_cast %get3A_416 : i32 to index
      %get3A_418 = arith.index_cast %mul3A_65 : i32 to index
      %get3A_419 = tpu.vector_load %arg10[%get3A_417, %get3A_418] {strides = array<i32>} : memref<26x128xf32, #tpu.memory_space<vmem>>, vector<1x16xf32>,
      %get3A_420 = vector.shape_cast %get3A_419 : vector<1x16xf32> to vector<16xf32>
      %mul3A_421 = arith.mulf %get3A_415, %get3A_420 : vector<16xf32>
      %add3A_422 = arith.addf %add3A_405, %mul3A_421 : vector<16xf32>
      %mul3A_423 = arith.mulf %mul3A_421, %mul3A_421 : vector<16xf32>
      %add3A_424 = arith.addf %add3A_407, %mul3A_423 : vector<16xf32>
      %add3A_425 = arith.constant 336 : i32
      %add3A_426 = arith.addi %add3A_425, %select_n3A : i32
      %mul3A_427 = arith.constant 128 : i32
      %mul3A_428 = arith.muli %add3A_426, %mul3A_427 : i32
      %add3A_429 = arith.addi %mul3A_428, %mul3A_65 : i32
      %get3A_430 = arith.index_cast %add3A_429 : i32 to index
      %get3A_431 = tpu.vector_load %arg11[%get3A_430] {strides = array<i32>} : memref<53248xf32, #tpu.memory_space<vmem>>, vector<16xf32>,
      %get3A_432 = vector.shape_cast %get3A_431 : vector<16xf32> to vector<16xf32>
      %get3A_433 = arith.constant 21 : i32
      %get3A_434 = arith.index_cast %get3A_433 : i32 to index
      %get3A_435 = arith.index_cast %mul3A_65 : i32 to index
      %get3A_436 = tpu.vector_load %arg10[%get3A_434, %get3A_435] {strides = array<i32>} : memref<26x128xf32, #tpu.memory_space<vmem>>, vector<1x16xf32>,
      %get3A_437 = vector.shape_cast %get3A_436 : vector<1x16xf32> to vector<16xf32>
      %mul3A_438 = arith.mulf %get3A_432, %get3A_437 : vector<16xf32>
      %add3A_439 = arith.addf %add3A_422, %mul3A_438 : vector<16xf32>
      %mul3A_440 = arith.mulf %mul3A_438, %mul3A_438 : vector<16xf32>
      %add3A_441 = arith.addf %add3A_424, %mul3A_440 : vector<16xf32>
      %add3A_442 = arith.constant 352 : i32
      %add3A_443 = arith.addi %add3A_442, %select_n3A : i32
      %mul3A_444 = arith.constant 128 : i32
      %mul3A_445 = arith.muli %add3A_443, %mul3A_444 : i32
      %add3A_446 = arith.addi %mul3A_445, %mul3A_65 : i32
      %get3A_447 = arith.index_cast %add3A_446 : i32 to index
      %get3A_448 = tpu.vector_load %arg11[%get3A_447] {strides = array<i32>} : memref<53248xf32, #tpu.memory_space<vmem>>, vector<16xf32>,
      %get3A_449 = vector.shape_cast %get3A_448 : vector<16xf32> to vector<16xf32>
      %get3A_450 = arith.constant 22 : i32
      %get3A_451 = arith.index_cast %get3A_450 : i32 to index
      %get3A_452 = arith.index_cast %mul3A_65 : i32 to index
      %get3A_453 = tpu.vector_load %arg10[%get3A_451, %get3A_452] {strides = array<i32>} : memref<26x128xf32, #tpu.memory_space<vmem>>, vector<1x16xf32>,
      %get3A_454 = vector.shape_cast %get3A_453 : vector<1x16xf32> to vector<16xf32>
      %mul3A_455 = arith.mulf %get3A_449, %get3A_454 : vector<16xf32>
      %add3A_456 = arith.addf %add3A_439, %mul3A_455 : vector<16xf32>
      %mul3A_457 = arith.mulf %mul3A_455, %mul3A_455 : vector<16xf32>
      %add3A_458 = arith.addf %add3A_441, %mul3A_457 : vector<16xf32>
      %add3A_459 = arith.constant 368 : i32
      %add3A_460 = arith.addi %add3A_459, %select_n3A : i32
      %mul3A_461 = arith.constant 128 : i32
      %mul3A_462 = arith.muli %add3A_460, %mul3A_461 : i32
      %add3A_463 = arith.addi %mul3A_462, %mul3A_65 : i32
      %get3A_464 = arith.index_cast %add3A_463 : i32 to index
      %get3A_465 = tpu.vector_load %arg11[%get3A_464] {strides = array<i32>} : memref<53248xf32, #tpu.memory_space<vmem>>, vector<16xf32>,
      %get3A_466 = vector.shape_cast %get3A_465 : vector<16xf32> to vector<16xf32>
      %get3A_467 = arith.constant 23 : i32
      %get3A_468 = arith.index_cast %get3A_467 : i32 to index
      %get3A_469 = arith.index_cast %mul3A_65 : i32 to index
      %get3A_470 = tpu.vector_load %arg10[%get3A_468, %get3A_469] {strides = array<i32>} : memref<26x128xf32, #tpu.memory_space<vmem>>, vector<1x16xf32>,
      %get3A_471 = vector.shape_cast %get3A_470 : vector<1x16xf32> to vector<16xf32>
      %mul3A_472 = arith.mulf %get3A_466, %get3A_471 : vector<16xf32>
      %add3A_473 = arith.addf %add3A_456, %mul3A_472 : vector<16xf32>
      %mul3A_474 = arith.mulf %mul3A_472, %mul3A_472 : vector<16xf32>
      %add3A_475 = arith.addf %add3A_458, %mul3A_474 : vector<16xf32>
      %add3A_476 = arith.constant 384 : i32
      %add3A_477 = arith.addi %add3A_476, %select_n3A : i32
      %mul3A_478 = arith.constant 128 : i32
      %mul3A_479 = arith.muli %add3A_477, %mul3A_478 : i32
      %add3A_480 = arith.addi %mul3A_479, %mul3A_65 : i32
      %get3A_481 = arith.index_cast %add3A_480 : i32 to index
      %get3A_482 = tpu.vector_load %arg11[%get3A_481] {strides = array<i32>} : memref<53248xf32, #tpu.memory_space<vmem>>, vector<16xf32>,
      %get3A_483 = vector.shape_cast %get3A_482 : vector<16xf32> to vector<16xf32>
      %get3A_484 = arith.constant 24 : i32
      %get3A_485 = arith.index_cast %get3A_484 : i32 to index
      %get3A_486 = arith.index_cast %mul3A_65 : i32 to index
      %get3A_487 = tpu.vector_load %arg10[%get3A_485, %get3A_486] {strides = array<i32>} : memref<26x128xf32, #tpu.memory_space<vmem>>, vector<1x16xf32>,
      %get3A_488 = vector.shape_cast %get3A_487 : vector<1x16xf32> to vector<16xf32>
      %mul3A_489 = arith.mulf %get3A_483, %get3A_488 : vector<16xf32>
      %add3A_490 = arith.addf %add3A_473, %mul3A_489 : vector<16xf32>
      %mul3A_491 = arith.mulf %mul3A_489, %mul3A_489 : vector<16xf32>
      %add3A_492 = arith.addf %add3A_475, %mul3A_491 : vector<16xf32>
      %add3A_493 = arith.constant 400 : i32
      %add3A_494 = arith.addi %add3A_493, %select_n3A : i32
      %mul3A_495 = arith.constant 128 : i32
      %mul3A_496 = arith.muli %add3A_494, %mul3A_495 : i32
      %add3A_497 = arith.addi %mul3A_496, %mul3A_65 : i32
      %get3A_498 = arith.index_cast %add3A_497 : i32 to index
      %get3A_499 = tpu.vector_load %arg11[%get3A_498] {strides = array<i32>} : memref<53248xf32, #tpu.memory_space<vmem>>, vector<16xf32>,
      %get3A_500 = vector.shape_cast %get3A_499 : vector<16xf32> to vector<16xf32>
      %get3A_501 = arith.constant 25 : i32
      %get3A_502 = arith.index_cast %get3A_501 : i32 to index
      %get3A_503 = arith.index_cast %mul3A_65 : i32 to index
      %get3A_504 = tpu.vector_load %arg10[%get3A_502, %get3A_503] {strides = array<i32>} : memref<26x128xf32, #tpu.memory_space<vmem>>, vector<1x16xf32>,
      %get3A_505 = vector.shape_cast %get3A_504 : vector<1x16xf32> to vector<16xf32>
      %mul3A_506 = arith.mulf %get3A_500, %get3A_505 : vector<16xf32>
      %add3A_507 = arith.addf %add3A_490, %mul3A_506 : vector<16xf32>
      %mul3A_508 = arith.mulf %mul3A_506, %mul3A_506 : vector<16xf32>
      %add3A_509 = arith.addf %add3A_492, %mul3A_508 : vector<16xf32>
      %mul3A_510 = arith.mulf %add3A_507, %add3A_507 : vector<16xf32>
      %sub3A_511 = arith.subf %mul3A_510, %add3A_509 : vector<16xf32>
      %mul3A_512 = arith.constant 5.000000e-01 : f32
      %mul3A_513 = vector.broadcast %mul3A_512 : f32 to vector<16xf32>
      %mul3A_514 = arith.mulf %mul3A_513, %sub3A_511 : vector<16xf32>
      %swap3A = arith.index_cast %select_n3A : i32 to index
      %swap3A_515 = arith.index_cast %mul3A_65 : i32 to index
      %swap3A_516 = tpu.vector_load %arg13[%swap3A, %swap3A_515] {strides = array<i32>} : memref<16x128xf32, #tpu.memory_space<vmem>>, vector<1x16xf32>,
      %swap3A_517 = vector.shape_cast %swap3A_516 : vector<1x16xf32> to vector<16xf32>
      %swap3A_518 = vector.shape_cast %mul3A_514 : vector<16xf32> to vector<1x16xf32>
      tpu.vector_store %arg13[%swap3A, %swap3A_515], %swap3A_518 {strides = array<i32>} : memref<16x128xf32, #tpu.memory_space<vmem>>, vector<1x16xf32>,
    }
    %scan3A_26 = arith.constant 128 : i32
    %scan3A_27 = arith.constant 0 : i32
    %scan3A_28 = arith.constant 0 : i32
    %scan3A_29 = arith.constant 8 : i32
    %scan3A_30 = arith.addi %scan3A_28, %scan3A_29 : i32
    %scan3A_31 = arith.constant 1 : i32
    scf.for %scan3A_33 = %scan3A_28 to %scan3A_30 step %scan3A_31  : i32 {
      %mul3A_34 = arith.constant 16 : i32
      %mul3A_35 = arith.muli %scan3A_33, %mul3A_34 : i32
      %broadcast_in_dim3A = arith.constant 0.000000e+00 : f32
      %broadcast_in_dim3A_36 = vector.broadcast %broadcast_in_dim3A : f32 to vector<16xf32>
      %add3A_37 = arith.constant 0 : i32
      %add3A_38 = arith.addi %add3A_37, %mul3A_35 : i32
      %get3A = arith.index_cast %add3A_38 : i32 to index
      %get3A_39 = tpu.vector_load %arg12[%get3A] {strides = array<i32>} : memref<3328xf32, #tpu.memory_space<vmem>>, vector<16xf32>,
      %get3A_40 = vector.shape_cast %get3A_39 : vector<16xf32> to vector<16xf32>
      %get3A_41 = arith.constant 0 : i32
      %get3A_42 = arith.index_cast %get3A_41 : i32 to index
      %get3A_43 = arith.index_cast %mul3A_35 : i32 to index
      %get3A_44 = tpu.vector_load %arg10[%get3A_42, %get3A_43] {strides = array<i32>} : memref<26x128xf32, #tpu.memory_space<vmem>>, vector<1x16xf32>,
      %get3A_45 = vector.shape_cast %get3A_44 : vector<1x16xf32> to vector<16xf32>
      %mul3A_46 = arith.mulf %get3A_40, %get3A_45 : vector<16xf32>
      %add3A_47 = arith.addf %broadcast_in_dim3A_36, %mul3A_46 : vector<16xf32>
      %add3A_48 = arith.constant 128 : i32
      %add3A_49 = arith.addi %add3A_48, %mul3A_35 : i32
      %get3A_50 = arith.index_cast %add3A_49 : i32 to index
      %get3A_51 = tpu.vector_load %arg12[%get3A_50] {strides = array<i32>} : memref<3328xf32, #tpu.memory_space<vmem>>, vector<16xf32>,
      %get3A_52 = vector.shape_cast %get3A_51 : vector<16xf32> to vector<16xf32>
      %get3A_53 = arith.constant 1 : i32
      %get3A_54 = arith.index_cast %get3A_53 : i32 to index
      %get3A_55 = arith.index_cast %mul3A_35 : i32 to index
      %get3A_56 = tpu.vector_load %arg10[%get3A_54, %get3A_55] {strides = array<i32>} : memref<26x128xf32, #tpu.memory_space<vmem>>, vector<1x16xf32>,
      %get3A_57 = vector.shape_cast %get3A_56 : vector<1x16xf32> to vector<16xf32>
      %mul3A_58 = arith.mulf %get3A_52, %get3A_57 : vector<16xf32>
      %add3A_59 = arith.addf %add3A_47, %mul3A_58 : vector<16xf32>
      %add3A_60 = arith.constant 256 : i32
      %add3A_61 = arith.addi %add3A_60, %mul3A_35 : i32
      %get3A_62 = arith.index_cast %add3A_61 : i32 to index
      %get3A_63 = tpu.vector_load %arg12[%get3A_62] {strides = array<i32>} : memref<3328xf32, #tpu.memory_space<vmem>>, vector<16xf32>,
      %get3A_64 = vector.shape_cast %get3A_63 : vector<16xf32> to vector<16xf32>
      %get3A_65 = arith.constant 2 : i32
      %get3A_66 = arith.index_cast %get3A_65 : i32 to index
      %get3A_67 = arith.index_cast %mul3A_35 : i32 to index
      %get3A_68 = tpu.vector_load %arg10[%get3A_66, %get3A_67] {strides = array<i32>} : memref<26x128xf32, #tpu.memory_space<vmem>>, vector<1x16xf32>,
      %get3A_69 = vector.shape_cast %get3A_68 : vector<1x16xf32> to vector<16xf32>
      %mul3A_70 = arith.mulf %get3A_64, %get3A_69 : vector<16xf32>
      %add3A_71 = arith.addf %add3A_59, %mul3A_70 : vector<16xf32>
      %add3A_72 = arith.constant 384 : i32
      %add3A_73 = arith.addi %add3A_72, %mul3A_35 : i32
      %get3A_74 = arith.index_cast %add3A_73 : i32 to index
      %get3A_75 = tpu.vector_load %arg12[%get3A_74] {strides = array<i32>} : memref<3328xf32, #tpu.memory_space<vmem>>, vector<16xf32>,
      %get3A_76 = vector.shape_cast %get3A_75 : vector<16xf32> to vector<16xf32>
      %get3A_77 = arith.constant 3 : i32
      %get3A_78 = arith.index_cast %get3A_77 : i32 to index
      %get3A_79 = arith.index_cast %mul3A_35 : i32 to index
      %get3A_80 = tpu.vector_load %arg10[%get3A_78, %get3A_79] {strides = array<i32>} : memref<26x128xf32, #tpu.memory_space<vmem>>, vector<1x16xf32>,
      %get3A_81 = vector.shape_cast %get3A_80 : vector<1x16xf32> to vector<16xf32>
      %mul3A_82 = arith.mulf %get3A_76, %get3A_81 : vector<16xf32>
      %add3A_83 = arith.addf %add3A_71, %mul3A_82 : vector<16xf32>
      %add3A_84 = arith.constant 512 : i32
      %add3A_85 = arith.addi %add3A_84, %mul3A_35 : i32
      %get3A_86 = arith.index_cast %add3A_85 : i32 to index
      %get3A_87 = tpu.vector_load %arg12[%get3A_86] {strides = array<i32>} : memref<3328xf32, #tpu.memory_space<vmem>>, vector<16xf32>,
      %get3A_88 = vector.shape_cast %get3A_87 : vector<16xf32> to vector<16xf32>
      %get3A_89 = arith.constant 4 : i32
      %get3A_90 = arith.index_cast %get3A_89 : i32 to index
      %get3A_91 = arith.index_cast %mul3A_35 : i32 to index
      %get3A_92 = tpu.vector_load %arg10[%get3A_90, %get3A_91] {strides = array<i32>} : memref<26x128xf32, #tpu.memory_space<vmem>>, vector<1x16xf32>,
      %get3A_93 = vector.shape_cast %get3A_92 : vector<1x16xf32> to vector<16xf32>
      %mul3A_94 = arith.mulf %get3A_88, %get3A_93 : vector<16xf32>
      %add3A_95 = arith.addf %add3A_83, %mul3A_94 : vector<16xf32>
      %add3A_96 = arith.constant 640 : i32
      %add3A_97 = arith.addi %add3A_96, %mul3A_35 : i32
      %get3A_98 = arith.index_cast %add3A_97 : i32 to index
      %get3A_99 = tpu.vector_load %arg12[%get3A_98] {strides = array<i32>} : memref<3328xf32, #tpu.memory_space<vmem>>, vector<16xf32>,
      %get3A_100 = vector.shape_cast %get3A_99 : vector<16xf32> to vector<16xf32>
      %get3A_101 = arith.constant 5 : i32
      %get3A_102 = arith.index_cast %get3A_101 : i32 to index
      %get3A_103 = arith.index_cast %mul3A_35 : i32 to index
      %get3A_104 = tpu.vector_load %arg10[%get3A_102, %get3A_103] {strides = array<i32>} : memref<26x128xf32, #tpu.memory_space<vmem>>, vector<1x16xf32>,
      %get3A_105 = vector.shape_cast %get3A_104 : vector<1x16xf32> to vector<16xf32>
      %mul3A_106 = arith.mulf %get3A_100, %get3A_105 : vector<16xf32>
      %add3A_107 = arith.addf %add3A_95, %mul3A_106 : vector<16xf32>
      %add3A_108 = arith.constant 768 : i32
      %add3A_109 = arith.addi %add3A_108, %mul3A_35 : i32
      %get3A_110 = arith.index_cast %add3A_109 : i32 to index
      %get3A_111 = tpu.vector_load %arg12[%get3A_110] {strides = array<i32>} : memref<3328xf32, #tpu.memory_space<vmem>>, vector<16xf32>,
      %get3A_112 = vector.shape_cast %get3A_111 : vector<16xf32> to vector<16xf32>
      %get3A_113 = arith.constant 6 : i32
      %get3A_114 = arith.index_cast %get3A_113 : i32 to index
      %get3A_115 = arith.index_cast %mul3A_35 : i32 to index
      %get3A_116 = tpu.vector_load %arg10[%get3A_114, %get3A_115] {strides = array<i32>} : memref<26x128xf32, #tpu.memory_space<vmem>>, vector<1x16xf32>,
      %get3A_117 = vector.shape_cast %get3A_116 : vector<1x16xf32> to vector<16xf32>
      %mul3A_118 = arith.mulf %get3A_112, %get3A_117 : vector<16xf32>
      %add3A_119 = arith.addf %add3A_107, %mul3A_118 : vector<16xf32>
      %add3A_120 = arith.constant 896 : i32
      %add3A_121 = arith.addi %add3A_120, %mul3A_35 : i32
      %get3A_122 = arith.index_cast %add3A_121 : i32 to index
      %get3A_123 = tpu.vector_load %arg12[%get3A_122] {strides = array<i32>} : memref<3328xf32, #tpu.memory_space<vmem>>, vector<16xf32>,
      %get3A_124 = vector.shape_cast %get3A_123 : vector<16xf32> to vector<16xf32>
      %get3A_125 = arith.constant 7 : i32
      %get3A_126 = arith.index_cast %get3A_125 : i32 to index
      %get3A_127 = arith.index_cast %mul3A_35 : i32 to index
      %get3A_128 = tpu.vector_load %arg10[%get3A_126, %get3A_127] {strides = array<i32>} : memref<26x128xf32, #tpu.memory_space<vmem>>, vector<1x16xf32>,
      %get3A_129 = vector.shape_cast %get3A_128 : vector<1x16xf32> to vector<16xf32>
      %mul3A_130 = arith.mulf %get3A_124, %get3A_129 : vector<16xf32>
      %add3A_131 = arith.addf %add3A_119, %mul3A_130 : vector<16xf32>
      %add3A_132 = arith.constant 1024 : i32
      %add3A_133 = arith.addi %add3A_132, %mul3A_35 : i32
      %get3A_134 = arith.index_cast %add3A_133 : i32 to index
      %get3A_135 = tpu.vector_load %arg12[%get3A_134] {strides = array<i32>} : memref<3328xf32, #tpu.memory_space<vmem>>, vector<16xf32>,
      %get3A_136 = vector.shape_cast %get3A_135 : vector<16xf32> to vector<16xf32>
      %get3A_137 = arith.constant 8 : i32
      %get3A_138 = arith.index_cast %get3A_137 : i32 to index
      %get3A_139 = arith.index_cast %mul3A_35 : i32 to index
      %get3A_140 = tpu.vector_load %arg10[%get3A_138, %get3A_139] {strides = array<i32>} : memref<26x128xf32, #tpu.memory_space<vmem>>, vector<1x16xf32>,
      %get3A_141 = vector.shape_cast %get3A_140 : vector<1x16xf32> to vector<16xf32>
      %mul3A_142 = arith.mulf %get3A_136, %get3A_141 : vector<16xf32>
      %add3A_143 = arith.addf %add3A_131, %mul3A_142 : vector<16xf32>
      %add3A_144 = arith.constant 1152 : i32
      %add3A_145 = arith.addi %add3A_144, %mul3A_35 : i32
      %get3A_146 = arith.index_cast %add3A_145 : i32 to index
      %get3A_147 = tpu.vector_load %arg12[%get3A_146] {strides = array<i32>} : memref<3328xf32, #tpu.memory_space<vmem>>, vector<16xf32>,
      %get3A_148 = vector.shape_cast %get3A_147 : vector<16xf32> to vector<16xf32>
      %get3A_149 = arith.constant 9 : i32
      %get3A_150 = arith.index_cast %get3A_149 : i32 to index
      %get3A_151 = arith.index_cast %mul3A_35 : i32 to index
      %get3A_152 = tpu.vector_load %arg10[%get3A_150, %get3A_151] {strides = array<i32>} : memref<26x128xf32, #tpu.memory_space<vmem>>, vector<1x16xf32>,
      %get3A_153 = vector.shape_cast %get3A_152 : vector<1x16xf32> to vector<16xf32>
      %mul3A_154 = arith.mulf %get3A_148, %get3A_153 : vector<16xf32>
      %add3A_155 = arith.addf %add3A_143, %mul3A_154 : vector<16xf32>
      %add3A_156 = arith.constant 1280 : i32
      %add3A_157 = arith.addi %add3A_156, %mul3A_35 : i32
      %get3A_158 = arith.index_cast %add3A_157 : i32 to index
      %get3A_159 = tpu.vector_load %arg12[%get3A_158] {strides = array<i32>} : memref<3328xf32, #tpu.memory_space<vmem>>, vector<16xf32>,
      %get3A_160 = vector.shape_cast %get3A_159 : vector<16xf32> to vector<16xf32>
      %get3A_161 = arith.constant 10 : i32
      %get3A_162 = arith.index_cast %get3A_161 : i32 to index
      %get3A_163 = arith.index_cast %mul3A_35 : i32 to index
      %get3A_164 = tpu.vector_load %arg10[%get3A_162, %get3A_163] {strides = array<i32>} : memref<26x128xf32, #tpu.memory_space<vmem>>, vector<1x16xf32>,
      %get3A_165 = vector.shape_cast %get3A_164 : vector<1x16xf32> to vector<16xf32>
      %mul3A_166 = arith.mulf %get3A_160, %get3A_165 : vector<16xf32>
      %add3A_167 = arith.addf %add3A_155, %mul3A_166 : vector<16xf32>
      %add3A_168 = arith.constant 1408 : i32
      %add3A_169 = arith.addi %add3A_168, %mul3A_35 : i32
      %get3A_170 = arith.index_cast %add3A_169 : i32 to index
      %get3A_171 = tpu.vector_load %arg12[%get3A_170] {strides = array<i32>} : memref<3328xf32, #tpu.memory_space<vmem>>, vector<16xf32>,
      %get3A_172 = vector.shape_cast %get3A_171 : vector<16xf32> to vector<16xf32>
      %get3A_173 = arith.constant 11 : i32
      %get3A_174 = arith.index_cast %get3A_173 : i32 to index
      %get3A_175 = arith.index_cast %mul3A_35 : i32 to index
      %get3A_176 = tpu.vector_load %arg10[%get3A_174, %get3A_175] {strides = array<i32>} : memref<26x128xf32, #tpu.memory_space<vmem>>, vector<1x16xf32>,
      %get3A_177 = vector.shape_cast %get3A_176 : vector<1x16xf32> to vector<16xf32>
      %mul3A_178 = arith.mulf %get3A_172, %get3A_177 : vector<16xf32>
      %add3A_179 = arith.addf %add3A_167, %mul3A_178 : vector<16xf32>
      %add3A_180 = arith.constant 1536 : i32
      %add3A_181 = arith.addi %add3A_180, %mul3A_35 : i32
      %get3A_182 = arith.index_cast %add3A_181 : i32 to index
      %get3A_183 = tpu.vector_load %arg12[%get3A_182] {strides = array<i32>} : memref<3328xf32, #tpu.memory_space<vmem>>, vector<16xf32>,
      %get3A_184 = vector.shape_cast %get3A_183 : vector<16xf32> to vector<16xf32>
      %get3A_185 = arith.constant 12 : i32
      %get3A_186 = arith.index_cast %get3A_185 : i32 to index
      %get3A_187 = arith.index_cast %mul3A_35 : i32 to index
      %get3A_188 = tpu.vector_load %arg10[%get3A_186, %get3A_187] {strides = array<i32>} : memref<26x128xf32, #tpu.memory_space<vmem>>, vector<1x16xf32>,
      %get3A_189 = vector.shape_cast %get3A_188 : vector<1x16xf32> to vector<16xf32>
      %mul3A_190 = arith.mulf %get3A_184, %get3A_189 : vector<16xf32>
      %add3A_191 = arith.addf %add3A_179, %mul3A_190 : vector<16xf32>
      %add3A_192 = arith.constant 1664 : i32
      %add3A_193 = arith.addi %add3A_192, %mul3A_35 : i32
      %get3A_194 = arith.index_cast %add3A_193 : i32 to index
      %get3A_195 = tpu.vector_load %arg12[%get3A_194] {strides = array<i32>} : memref<3328xf32, #tpu.memory_space<vmem>>, vector<16xf32>,
      %get3A_196 = vector.shape_cast %get3A_195 : vector<16xf32> to vector<16xf32>
      %get3A_197 = arith.constant 13 : i32
      %get3A_198 = arith.index_cast %get3A_197 : i32 to index
      %get3A_199 = arith.index_cast %mul3A_35 : i32 to index
      %get3A_200 = tpu.vector_load %arg10[%get3A_198, %get3A_199] {strides = array<i32>} : memref<26x128xf32, #tpu.memory_space<vmem>>, vector<1x16xf32>,
      %get3A_201 = vector.shape_cast %get3A_200 : vector<1x16xf32> to vector<16xf32>
      %mul3A_202 = arith.mulf %get3A_196, %get3A_201 : vector<16xf32>
      %add3A_203 = arith.addf %add3A_191, %mul3A_202 : vector<16xf32>
      %add3A_204 = arith.constant 1792 : i32
      %add3A_205 = arith.addi %add3A_204, %mul3A_35 : i32
      %get3A_206 = arith.index_cast %add3A_205 : i32 to index
      %get3A_207 = tpu.vector_load %arg12[%get3A_206] {strides = array<i32>} : memref<3328xf32, #tpu.memory_space<vmem>>, vector<16xf32>,
      %get3A_208 = vector.shape_cast %get3A_207 : vector<16xf32> to vector<16xf32>
      %get3A_209 = arith.constant 14 : i32
      %get3A_210 = arith.index_cast %get3A_209 : i32 to index
      %get3A_211 = arith.index_cast %mul3A_35 : i32 to index
      %get3A_212 = tpu.vector_load %arg10[%get3A_210, %get3A_211] {strides = array<i32>} : memref<26x128xf32, #tpu.memory_space<vmem>>, vector<1x16xf32>,
      %get3A_213 = vector.shape_cast %get3A_212 : vector<1x16xf32> to vector<16xf32>
      %mul3A_214 = arith.mulf %get3A_208, %get3A_213 : vector<16xf32>
      %add3A_215 = arith.addf %add3A_203, %mul3A_214 : vector<16xf32>
      %add3A_216 = arith.constant 1920 : i32
      %add3A_217 = arith.addi %add3A_216, %mul3A_35 : i32
      %get3A_218 = arith.index_cast %add3A_217 : i32 to index
      %get3A_219 = tpu.vector_load %arg12[%get3A_218] {strides = array<i32>} : memref<3328xf32, #tpu.memory_space<vmem>>, vector<16xf32>,
      %get3A_220 = vector.shape_cast %get3A_219 : vector<16xf32> to vector<16xf32>
      %get3A_221 = arith.constant 15 : i32
      %get3A_222 = arith.index_cast %get3A_221 : i32 to index
      %get3A_223 = arith.index_cast %mul3A_35 : i32 to index
      %get3A_224 = tpu.vector_load %arg10[%get3A_222, %get3A_223] {strides = array<i32>} : memref<26x128xf32, #tpu.memory_space<vmem>>, vector<1x16xf32>,
      %get3A_225 = vector.shape_cast %get3A_224 : vector<1x16xf32> to vector<16xf32>
      %mul3A_226 = arith.mulf %get3A_220, %get3A_225 : vector<16xf32>
      %add3A_227 = arith.addf %add3A_215, %mul3A_226 : vector<16xf32>
      %add3A_228 = arith.constant 2048 : i32
      %add3A_229 = arith.addi %add3A_228, %mul3A_35 : i32
      %get3A_230 = arith.index_cast %add3A_229 : i32 to index
      %get3A_231 = tpu.vector_load %arg12[%get3A_230] {strides = array<i32>} : memref<3328xf32, #tpu.memory_space<vmem>>, vector<16xf32>,
      %get3A_232 = vector.shape_cast %get3A_231 : vector<16xf32> to vector<16xf32>
      %get3A_233 = arith.constant 16 : i32
      %get3A_234 = arith.index_cast %get3A_233 : i32 to index
      %get3A_235 = arith.index_cast %mul3A_35 : i32 to index
      %get3A_236 = tpu.vector_load %arg10[%get3A_234, %get3A_235] {strides = array<i32>} : memref<26x128xf32, #tpu.memory_space<vmem>>, vector<1x16xf32>,
      %get3A_237 = vector.shape_cast %get3A_236 : vector<1x16xf32> to vector<16xf32>
      %mul3A_238 = arith.mulf %get3A_232, %get3A_237 : vector<16xf32>
      %add3A_239 = arith.addf %add3A_227, %mul3A_238 : vector<16xf32>
      %add3A_240 = arith.constant 2176 : i32
      %add3A_241 = arith.addi %add3A_240, %mul3A_35 : i32
      %get3A_242 = arith.index_cast %add3A_241 : i32 to index
      %get3A_243 = tpu.vector_load %arg12[%get3A_242] {strides = array<i32>} : memref<3328xf32, #tpu.memory_space<vmem>>, vector<16xf32>,
      %get3A_244 = vector.shape_cast %get3A_243 : vector<16xf32> to vector<16xf32>
      %get3A_245 = arith.constant 17 : i32
      %get3A_246 = arith.index_cast %get3A_245 : i32 to index
      %get3A_247 = arith.index_cast %mul3A_35 : i32 to index
      %get3A_248 = tpu.vector_load %arg10[%get3A_246, %get3A_247] {strides = array<i32>} : memref<26x128xf32, #tpu.memory_space<vmem>>, vector<1x16xf32>,
      %get3A_249 = vector.shape_cast %get3A_248 : vector<1x16xf32> to vector<16xf32>
      %mul3A_250 = arith.mulf %get3A_244, %get3A_249 : vector<16xf32>
      %add3A_251 = arith.addf %add3A_239, %mul3A_250 : vector<16xf32>
      %add3A_252 = arith.constant 2304 : i32
      %add3A_253 = arith.addi %add3A_252, %mul3A_35 : i32
      %get3A_254 = arith.index_cast %add3A_253 : i32 to index
      %get3A_255 = tpu.vector_load %arg12[%get3A_254] {strides = array<i32>} : memref<3328xf32, #tpu.memory_space<vmem>>, vector<16xf32>,
      %get3A_256 = vector.shape_cast %get3A_255 : vector<16xf32> to vector<16xf32>
      %get3A_257 = arith.constant 18 : i32
      %get3A_258 = arith.index_cast %get3A_257 : i32 to index
      %get3A_259 = arith.index_cast %mul3A_35 : i32 to index
      %get3A_260 = tpu.vector_load %arg10[%get3A_258, %get3A_259] {strides = array<i32>} : memref<26x128xf32, #tpu.memory_space<vmem>>, vector<1x16xf32>,
      %get3A_261 = vector.shape_cast %get3A_260 : vector<1x16xf32> to vector<16xf32>
      %mul3A_262 = arith.mulf %get3A_256, %get3A_261 : vector<16xf32>
      %add3A_263 = arith.addf %add3A_251, %mul3A_262 : vector<16xf32>
      %add3A_264 = arith.constant 2432 : i32
      %add3A_265 = arith.addi %add3A_264, %mul3A_35 : i32
      %get3A_266 = arith.index_cast %add3A_265 : i32 to index
      %get3A_267 = tpu.vector_load %arg12[%get3A_266] {strides = array<i32>} : memref<3328xf32, #tpu.memory_space<vmem>>, vector<16xf32>,
      %get3A_268 = vector.shape_cast %get3A_267 : vector<16xf32> to vector<16xf32>
      %get3A_269 = arith.constant 19 : i32
      %get3A_270 = arith.index_cast %get3A_269 : i32 to index
      %get3A_271 = arith.index_cast %mul3A_35 : i32 to index
      %get3A_272 = tpu.vector_load %arg10[%get3A_270, %get3A_271] {strides = array<i32>} : memref<26x128xf32, #tpu.memory_space<vmem>>, vector<1x16xf32>,
      %get3A_273 = vector.shape_cast %get3A_272 : vector<1x16xf32> to vector<16xf32>
      %mul3A_274 = arith.mulf %get3A_268, %get3A_273 : vector<16xf32>
      %add3A_275 = arith.addf %add3A_263, %mul3A_274 : vector<16xf32>
      %add3A_276 = arith.constant 2560 : i32
      %add3A_277 = arith.addi %add3A_276, %mul3A_35 : i32
      %get3A_278 = arith.index_cast %add3A_277 : i32 to index
      %get3A_279 = tpu.vector_load %arg12[%get3A_278] {strides = array<i32>} : memref<3328xf32, #tpu.memory_space<vmem>>, vector<16xf32>,
      %get3A_280 = vector.shape_cast %get3A_279 : vector<16xf32> to vector<16xf32>
      %get3A_281 = arith.constant 20 : i32
      %get3A_282 = arith.index_cast %get3A_281 : i32 to index
      %get3A_283 = arith.index_cast %mul3A_35 : i32 to index
      %get3A_284 = tpu.vector_load %arg10[%get3A_282, %get3A_283] {strides = array<i32>} : memref<26x128xf32, #tpu.memory_space<vmem>>, vector<1x16xf32>,
      %get3A_285 = vector.shape_cast %get3A_284 : vector<1x16xf32> to vector<16xf32>
      %mul3A_286 = arith.mulf %get3A_280, %get3A_285 : vector<16xf32>
      %add3A_287 = arith.addf %add3A_275, %mul3A_286 : vector<16xf32>
      %add3A_288 = arith.constant 2688 : i32
      %add3A_289 = arith.addi %add3A_288, %mul3A_35 : i32
      %get3A_290 = arith.index_cast %add3A_289 : i32 to index
      %get3A_291 = tpu.vector_load %arg12[%get3A_290] {strides = array<i32>} : memref<3328xf32, #tpu.memory_space<vmem>>, vector<16xf32>,
      %get3A_292 = vector.shape_cast %get3A_291 : vector<16xf32> to vector<16xf32>
      %get3A_293 = arith.constant 21 : i32
      %get3A_294 = arith.index_cast %get3A_293 : i32 to index
      %get3A_295 = arith.index_cast %mul3A_35 : i32 to index
      %get3A_296 = tpu.vector_load %arg10[%get3A_294, %get3A_295] {strides = array<i32>} : memref<26x128xf32, #tpu.memory_space<vmem>>, vector<1x16xf32>,
      %get3A_297 = vector.shape_cast %get3A_296 : vector<1x16xf32> to vector<16xf32>
      %mul3A_298 = arith.mulf %get3A_292, %get3A_297 : vector<16xf32>
      %add3A_299 = arith.addf %add3A_287, %mul3A_298 : vector<16xf32>
      %add3A_300 = arith.constant 2816 : i32
      %add3A_301 = arith.addi %add3A_300, %mul3A_35 : i32
      %get3A_302 = arith.index_cast %add3A_301 : i32 to index
      %get3A_303 = tpu.vector_load %arg12[%get3A_302] {strides = array<i32>} : memref<3328xf32, #tpu.memory_space<vmem>>, vector<16xf32>,
      %get3A_304 = vector.shape_cast %get3A_303 : vector<16xf32> to vector<16xf32>
      %get3A_305 = arith.constant 22 : i32
      %get3A_306 = arith.index_cast %get3A_305 : i32 to index
      %get3A_307 = arith.index_cast %mul3A_35 : i32 to index
      %get3A_308 = tpu.vector_load %arg10[%get3A_306, %get3A_307] {strides = array<i32>} : memref<26x128xf32, #tpu.memory_space<vmem>>, vector<1x16xf32>,
      %get3A_309 = vector.shape_cast %get3A_308 : vector<1x16xf32> to vector<16xf32>
      %mul3A_310 = arith.mulf %get3A_304, %get3A_309 : vector<16xf32>
      %add3A_311 = arith.addf %add3A_299, %mul3A_310 : vector<16xf32>
      %add3A_312 = arith.constant 2944 : i32
      %add3A_313 = arith.addi %add3A_312, %mul3A_35 : i32
      %get3A_314 = arith.index_cast %add3A_313 : i32 to index
      %get3A_315 = tpu.vector_load %arg12[%get3A_314] {strides = array<i32>} : memref<3328xf32, #tpu.memory_space<vmem>>, vector<16xf32>,
      %get3A_316 = vector.shape_cast %get3A_315 : vector<16xf32> to vector<16xf32>
      %get3A_317 = arith.constant 23 : i32
      %get3A_318 = arith.index_cast %get3A_317 : i32 to index
      %get3A_319 = arith.index_cast %mul3A_35 : i32 to index
      %get3A_320 = tpu.vector_load %arg10[%get3A_318, %get3A_319] {strides = array<i32>} : memref<26x128xf32, #tpu.memory_space<vmem>>, vector<1x16xf32>,
      %get3A_321 = vector.shape_cast %get3A_320 : vector<1x16xf32> to vector<16xf32>
      %mul3A_322 = arith.mulf %get3A_316, %get3A_321 : vector<16xf32>
      %add3A_323 = arith.addf %add3A_311, %mul3A_322 : vector<16xf32>
      %add3A_324 = arith.constant 3072 : i32
      %add3A_325 = arith.addi %add3A_324, %mul3A_35 : i32
      %get3A_326 = arith.index_cast %add3A_325 : i32 to index
      %get3A_327 = tpu.vector_load %arg12[%get3A_326] {strides = array<i32>} : memref<3328xf32, #tpu.memory_space<vmem>>, vector<16xf32>,
      %get3A_328 = vector.shape_cast %get3A_327 : vector<16xf32> to vector<16xf32>
      %get3A_329 = arith.constant 24 : i32
      %get3A_330 = arith.index_cast %get3A_329 : i32 to index
      %get3A_331 = arith.index_cast %mul3A_35 : i32 to index
      %get3A_332 = tpu.vector_load %arg10[%get3A_330, %get3A_331] {strides = array<i32>} : memref<26x128xf32, #tpu.memory_space<vmem>>, vector<1x16xf32>,
      %get3A_333 = vector.shape_cast %get3A_332 : vector<1x16xf32> to vector<16xf32>
      %mul3A_334 = arith.mulf %get3A_328, %get3A_333 : vector<16xf32>
      %add3A_335 = arith.addf %add3A_323, %mul3A_334 : vector<16xf32>
      %add3A_336 = arith.constant 3200 : i32
      %add3A_337 = arith.addi %add3A_336, %mul3A_35 : i32
      %get3A_338 = arith.index_cast %add3A_337 : i32 to index
      %get3A_339 = tpu.vector_load %arg12[%get3A_338] {strides = array<i32>} : memref<3328xf32, #tpu.memory_space<vmem>>, vector<16xf32>,
      %get3A_340 = vector.shape_cast %get3A_339 : vector<16xf32> to vector<16xf32>
      %get3A_341 = arith.constant 25 : i32
      %get3A_342 = arith.index_cast %get3A_341 : i32 to index
      %get3A_343 = arith.index_cast %mul3A_35 : i32 to index
      %get3A_344 = tpu.vector_load %arg10[%get3A_342, %get3A_343] {strides = array<i32>} : memref<26x128xf32, #tpu.memory_space<vmem>>, vector<1x16xf32>,
      %get3A_345 = vector.shape_cast %get3A_344 : vector<1x16xf32> to vector<16xf32>
      %mul3A_346 = arith.mulf %get3A_340, %get3A_345 : vector<16xf32>
      %add3A_347 = arith.addf %add3A_335, %mul3A_346 : vector<16xf32>
      %swap3A = arith.index_cast %mul3A_35 : i32 to index
      %swap3A_348 = tpu.vector_load %arg14[%swap3A] {strides = array<i32>} : memref<128xf32, #tpu.memory_space<vmem>>, vector<16xf32>,
      %swap3A_349 = vector.shape_cast %swap3A_348 : vector<16xf32> to vector<16xf32>
      %swap3A_350 = vector.shape_cast %add3A_347 : vector<16xf32> to vector<16xf32>
      tpu.vector_store %arg14[%swap3A], %swap3A_350 {strides = array<i32>} : memref<128xf32, #tpu.memory_space<vmem>>, vector<16xf32>,
    }
    %scan3A_32 = arith.constant 8 : i32
    "tpu.region"() ({
      %run_scoped3A = tpu.sem_alloc : memref<!tpu.dma_semaphore, #tpu.memory_space<semaphore_mem>>
      %dma_start3A = arith.constant 0 : i32
      %dma_start3A_33 = tpu.memref_slice %arg6[%dma_start3A, %mul3A_2] : memref<16x4096xf32, #tpu.memory_space<hbm>> -> memref<16x128xf32, #tpu.memory_space<hbm>>
      %dma_start3A_34 = arith.constant 0 : i32
      %dma_start3A_35 = tpu.memref_slice %arg6[%dma_start3A_34, %mul3A_2] : memref<16x4096xf32, #tpu.memory_space<hbm>> -> memref<16x128xf32, #tpu.memory_space<hbm>>
      tpu.enqueue_dma source(%arg13 : memref<16x128xf32, #tpu.memory_space<vmem>>) target(%dma_start3A_35 : memref<16x128xf32, #tpu.memory_space<hbm>>) target_semaphore(%run_scoped3A : memref<!tpu.dma_semaphore, #tpu.memory_space<semaphore_mem>>)
      %dma_wait3A_36 = arith.constant 0 : i32
      %dma_wait3A_37 = tpu.memref_slice %arg6[%dma_wait3A_36, %mul3A_2] : memref<16x4096xf32, #tpu.memory_space<hbm>> -> memref<16x128xf32, #tpu.memory_space<hbm>>
      %dma_wait3A_38 = arith.constant 0 : i32
      %dma_wait3A_39 = tpu.memref_slice %arg6[%dma_wait3A_38, %mul3A_2] : memref<16x4096xf32, #tpu.memory_space<hbm>> -> memref<16x128xf32, #tpu.memory_space<hbm>>
      tpu.wait_dma2 semaphore(%run_scoped3A : memref<!tpu.dma_semaphore, #tpu.memory_space<semaphore_mem>>) src(%arg13 : memref<16x128xf32, #tpu.memory_space<vmem>>) dst(%dma_wait3A_39 : memref<16x128xf32, #tpu.memory_space<hbm>>)
      tpu.yield
    }) : () -> ()
    "tpu.region"() ({
      %run_scoped3A = tpu.sem_alloc : memref<!tpu.dma_semaphore, #tpu.memory_space<semaphore_mem>>
      %dma_start3A = tpu.memref_slice %arg7[%mul3A_2] : memref<4096xf32, #tpu.memory_space<hbm>> -> memref<128xf32, #tpu.memory_space<hbm>>
      %dma_start3A_33 = tpu.memref_slice %arg7[%mul3A_2] : memref<4096xf32, #tpu.memory_space<hbm>> -> memref<128xf32, #tpu.memory_space<hbm>>
      tpu.enqueue_dma source(%arg14 : memref<128xf32, #tpu.memory_space<vmem>>) target(%dma_start3A_33 : memref<128xf32, #tpu.memory_space<hbm>>) target_semaphore(%run_scoped3A : memref<!tpu.dma_semaphore, #tpu.memory_space<semaphore_mem>>)
      %dma_wait3A_34 = tpu.memref_slice %arg7[%mul3A_2] : memref<4096xf32, #tpu.memory_space<hbm>> -> memref<128xf32, #tpu.memory_space<hbm>>
      %dma_wait3A_35 = tpu.memref_slice %arg7[%mul3A_2] : memref<4096xf32, #tpu.memory_space<hbm>> -> memref<128xf32, #tpu.memory_space<hbm>>
      tpu.wait_dma2 semaphore(%run_scoped3A : memref<!tpu.dma_semaphore, #tpu.memory_space<semaphore_mem>>) src(%arg14 : memref<128xf32, #tpu.memory_space<vmem>>) dst(%dma_wait3A_35 : memref<128xf32, #tpu.memory_space<hbm>>)
      tpu.yield
    }) : () -> ()
    return
  }
}

module attributes {stable_mosaic.version = 14 : i64} {
  func.func @_tc_body(%arg0: i32, %arg1: memref<16x512xf32, #tpu.memory_space<vmem>>, %arg2: memref<512xf32, #tpu.memory_space<vmem>>, %arg3: memref<16x128xf32, #tpu.memory_space<vmem>>, %arg4: memref<128x128xf32, #tpu.memory_space<vmem>>, %arg5: memref<128x1xf32, #tpu.memory_space<vmem>>, %arg6: memref<128x1xf32, #tpu.memory_space<vmem>>, %arg7: memref<1xf32, #tpu.memory_space<smem>>, %arg8: memref<512xf32, #tpu.memory_space<vmem>>) attributes {dimension_semantics = [#tpu.dimension_semantics<arbitrary>], iteration_bounds = array<i64: 8>, scalar_prefetch = 0 : i64, scratch_operands = 0 : i64, tpu.core_type = #tpu.core_type<tc>, window_params = [{transform_indices = @transform_0, window_bounds = array<i64: 16, 512>}, {transform_indices = @transform_1, window_bounds = array<i64: 512>}, {pipeline_mode = #tpu.pipeline_mode<synchronous>, transform_indices = @transform_2, window_bounds = array<i64: 16, 128>}, {pipeline_mode = #tpu.pipeline_mode<synchronous>, transform_indices = @transform_3, window_bounds = array<i64: 128, 128>}, {pipeline_mode = #tpu.pipeline_mode<synchronous>, transform_indices = @transform_4, window_bounds = array<i64: 128, 1>}, {pipeline_mode = #tpu.pipeline_mode<synchronous>, transform_indices = @transform_5, window_bounds = array<i64: 128, 1>}, {transform_indices = @transform_6, window_bounds = array<i64: 1>}, {transform_indices = @transform_7, window_bounds = array<i64: 512>}]} {
    %get3A = arith.constant 0 : index
    %get3A_0 = arith.constant 0 : index
    %get3A_1 = vector.load %arg1[%get3A, %get3A_0] : memref<16x512xf32, #tpu.memory_space<vmem>>, vector<16x512xf32>
    %get3A_2 = arith.constant 0 : index
    %get3A_3 = arith.constant 0 : index
    %get3A_4 = vector.load %arg3[%get3A_2, %get3A_3] : memref<16x128xf32, #tpu.memory_space<vmem>>, vector<16x128xf32>
    %dot_general3A = arith.constant dense<0.000000e+00> : vector<128x512xf32>
    %dot_general3A_5 = tpu.matmul %get3A_4, %get3A_1, %dot_general3A {dimension_numbers = #tpu.dot_dimension_numbers<[0], [0], [1], [1], [0, 1, 1, 1], [], []>, transpose_lhs_hint = false} : vector<16x128xf32>, vector<16x512xf32>, vector<128x512xf32> -> vector<128x512xf32>
    %get3A_6 = arith.constant 0 : index
    %get3A_7 = arith.constant 0 : index
    %get3A_8 = vector.load %arg5[%get3A_6, %get3A_7] : memref<128x1xf32, #tpu.memory_space<vmem>>, vector<128x1xf32>
    %add3A = vector.broadcast %get3A_8 : vector<128x1xf32> to vector<128x512xf32>
    %add3A_9 = arith.addf %dot_general3A_5, %add3A : vector<128x512xf32>
    %max3A = arith.constant 0.000000e+00 : f32
    %max3A_10 = vector.broadcast %max3A : f32 to vector<128x512xf32>
    %max3A_11 = arith.maximumf %add3A_9, %max3A_10 : vector<128x512xf32>
    %get3A_12 = arith.constant 0 : index
    %get3A_13 = arith.constant 0 : index
    %get3A_14 = vector.load %arg4[%get3A_12, %get3A_13] : memref<128x128xf32, #tpu.memory_space<vmem>>, vector<128x128xf32>
    %dot_general3A_15 = arith.constant dense<0.000000e+00> : vector<128x512xf32>
    %dot_general3A_16 = tpu.matmul %get3A_14, %max3A_11, %dot_general3A_15 {dimension_numbers = #tpu.dot_dimension_numbers<[0], [0], [1], [1], [0, 1, 1, 1], [], []>, transpose_lhs_hint = false} : vector<128x128xf32>, vector<128x512xf32>, vector<128x512xf32> -> vector<128x512xf32>
    %get3A_17 = arith.constant 0 : index
    %get3A_18 = arith.constant 0 : index
    %get3A_19 = vector.load %arg6[%get3A_17, %get3A_18] : memref<128x1xf32, #tpu.memory_space<vmem>>, vector<128x1xf32>
    %add3A_20 = vector.broadcast %get3A_19 : vector<128x1xf32> to vector<128x512xf32>
    %add3A_21 = arith.addf %dot_general3A_16, %add3A_20 : vector<128x512xf32>
    %max3A_22 = arith.constant 0.000000e+00 : f32
    %max3A_23 = vector.broadcast %max3A_22 : f32 to vector<128x512xf32>
    %max3A_24 = arith.maximumf %add3A_21, %max3A_23 : vector<128x512xf32>
    %reduce_sum3A = arith.constant dense<0.000000e+00> : vector<512xf32>
    %reduce_sum3A_25 = vector.multi_reduction <add>, %max3A_24, %reduce_sum3A [0] : vector<128x512xf32> to vector<512xf32>
    %get3A_26 = arith.constant 0 : index
    %get3A_27 = vector.load %arg2[%get3A_26] : memref<512xf32, #tpu.memory_space<vmem>>, vector<512xf32>
    %add3A_28 = arith.addf %reduce_sum3A_25, %get3A_27 : vector<512xf32>
    %get3A_29 = arith.constant 0 : index
    %get3A_30 = memref.load %arg7[%get3A_29] : memref<1xf32, #tpu.memory_space<smem>>
    %add3A_31 = vector.broadcast %get3A_30 : f32 to vector<512xf32>
    %add3A_32 = arith.addf %add3A_28, %add3A_31 : vector<512xf32>
    %swap3A = arith.constant 0 : index
    %swap3A_33 = vector.load %arg8[%swap3A] : memref<512xf32, #tpu.memory_space<vmem>>, vector<512xf32>
    tpu.vector_store %arg8[%swap3A], %add3A_32 {strides = array<i32>} : memref<512xf32, #tpu.memory_space<vmem>>, vector<512xf32>,
    return
  }
  func.func @transform_0(%arg0: i32) -> (i32, i32) {
    %c0_i32 = arith.constant 0 : i32
    %c0_i32_0 = arith.constant 0 : i32
    return %c0_i32, %arg0 : i32, i32
  }
  func.func @transform_1(%arg0: i32) -> i32 {
    %c0_i32 = arith.constant 0 : i32
    return %arg0 : i32
  }
  func.func @transform_2(%arg0: i32) -> (i32, i32) {
    %c0_i32 = arith.constant 0 : i32
    %c0_i32_0 = arith.constant 0 : i32
    %c0_i32_1 = arith.constant 0 : i32
    return %c0_i32, %c0_i32_0 : i32, i32
  }
  func.func @transform_3(%arg0: i32) -> (i32, i32) {
    %c0_i32 = arith.constant 0 : i32
    %c0_i32_0 = arith.constant 0 : i32
    %c0_i32_1 = arith.constant 0 : i32
    return %c0_i32, %c0_i32_0 : i32, i32
  }
  func.func @transform_4(%arg0: i32) -> (i32, i32) {
    %c0_i32 = arith.constant 0 : i32
    %c0_i32_0 = arith.constant 0 : i32
    %c0_i32_1 = arith.constant 0 : i32
    return %c0_i32, %c0_i32_0 : i32, i32
  }
  func.func @transform_5(%arg0: i32) -> (i32, i32) {
    %c0_i32 = arith.constant 0 : i32
    %c0_i32_0 = arith.constant 0 : i32
    %c0_i32_1 = arith.constant 0 : i32
    return %c0_i32, %c0_i32_0 : i32, i32
  }
  func.func @transform_6(%arg0: i32) -> i32 {
    %c0_i32 = arith.constant 0 : i32
    %c0_i32_0 = arith.constant 0 : i32
    return %c0_i32 : i32
  }
  func.func @transform_7(%arg0: i32) -> i32 {
    %c0_i32 = arith.constant 0 : i32
    return %arg0 : i32
  }
}

</mosaic_0001>

<sc_bundles>
// kernel: kernel.4.cloned.1.call-start
scs
__scs_entry_jumppad:
0x0: {  	(pc) =	sbr.rel $0x88, $3  }
0x1: {  	(tag) =	ssettag $0x0;
	lr =	simm.s32 $0x1  }
0x2: {  	[smem:$0x3F98] =	sst lr;
	_ =	strace $0xD0000000  }
0x3: {  	_ = 	snop  }
0x4: {  	_ = 	snop  }
0x5: {  	_ = 	snop  }
0x6: {  	_ = 	snop  }
0x7: {  	_ = 	snop  }
__scs_overlays_trampoline_lowered:
0x8: {  	[smem:$0x3FA7] =	sst s0  }
0x9: {  	[smem:$0x3FA8] =	sst s1  }
0xa: {  	[smem:$0x3FA9] =	sst s2  }
0xb: {  	[smem:$0x3FAA] =	sst s3  }
0xc: {  	[smem:$0x3FAB] =	sst s4  }
0xd: {  	[smem:$0x3FAC] =	sst s5  }
0xe: {  	[smem:$0x3FAD] =	sst s6  }
0xf: {  	[smem:$0x3FAE] =	sst s7  }
0x10: {  	[smem:$0x3FAF] =	sst s8  }
0x11: {  	[smem:$0x3FB0] =	sst s9;
	s0 =	simm.s32 @!p0 $0x0  }
0x12: {  	s1 =	sld [smem:$0x3F96];
	s0 =	simm.s32 @p0 $0x1  }
0x13: {  	[smem:$0x3FB1] =	sst s0;
	s0 =	simm.s32 @!p1 $0x0  }
0x14: {  	s2 =	sld [smem:$0x3F95];
	s0 =	simm.s32 @p1 $0x1  }
0x15: {  	[smem:$0x3FB2] =	sst s0;
	s0 =	simm.s32 @!p2 $0x0  }
0x16: {  	s3 =	sld [smem:$0x3FDB];
	s0 =	simm.s32 @p2 $0x1  }
0x17: {  	s4 =	simm.s32 $0x1BF5;
	[smem:$0x3FB4] =	sst s0  }
0x18: {  	s0 =	sld [smem:$0x3F97];
	_ =	swait.ge [sflag:s4], $0x0  }
0x19: {  	s7 =	sld [smem:$0x3F98]  }
0x1a: {  	s8 =	sadd.s32 $0xFFFFE003, lr  }
0x1b: {  	s9 =	sadd.s32 $0xFFFFFEF7, lr;
	s5 =	simm.s32 $0xFFFFFFFF;
	p2 =	slt.u32 s8, $0xFFFFF086  }
0x1c: {  	p1 =	slt.u32 s9, $0xF7A;
	s5 =	simm.s32 @!p2 $0x0  }
0x1d: {  	s5 =	simm.s32 @p1 $0x1;
	p0 =	seq.s32 s7, s2  }
0x1e: {  	s7 =	smul.u32 @!p0 $0xF7A, s2;
	p2 =	seq.s32 @!p0 s5, $0x0  }
0x1f: {  	s9 =	smul.u32 $0xF7A, s1;
	s8 =	simm.s32 @!p0 $0x1BF5;
	p2 =	por !p2, p0  }
0x20: {  	[sflag:s8] =	ssyncset.s32 @!p0 $0xFFFFF086;
	s6 =	sadd.s32 @!p0 s3, s7;
	s7 =	simm.s32 @!p0 $0x108  }
0x21: {  	s3 =	sadd.s32 s3, s9;
	s6 =	sadd.s32 @!p0 $0x88, s6;
	s7 =	simm.s32 @p2 $0x1082  }
0x22: {  	[simem:s7], [sflag:s8] =	dma.local @!p0 [hbm:s6], $0xF7A  }
0x23: {  	s9 =	sor.u32 $0xD0000000, s2;
	s6 =	simm.s32 $0x108;
	_ =	swait.ge @!p0 [sflag:s8], $0x0  }
0x24: {  	s3 =	sadd.s32 $0x88, s3;
	s6 =	simm.s32 @!p1 $0x1082;
	[sflag:s4] =	ssyncset.s32 $0xFFFFF086  }
0x25: {  	[simem:s6], [sflag:s4] =	dma.local [hbm:s3], $0xF7A  }
0x26: {  	[smem:$0x3F98] =	sst s1;
	(tag) =	ssettag s2;
	_ =	strace s9  }
0x27: {  	s1 =	sld [smem:$0x3FA8]  }
0x28: {  	s2 =	sld [smem:$0x3FA9]  }
0x29: {  	s4 =	sld [smem:$0x3FAB]  }
0x2a: {  	p0 =	seq.s32 s5, $0x0;
	s5 =	sld [smem:$0x3FAC]  }
0x2b: {  	s6 =	sld [smem:$0x3FAD]  }
0x2c: {  	s7 =	sld [smem:$0x3FAE]  }
0x2d: {  	s3 =	simm.s32 $0x108;
	s8 =	sld [smem:$0x3FAF]  }
0x2e: {  	s3 =	simm.s32 @!p0 $0x1082;
	s9 =	sld [smem:$0x3FB0]  }
0x2f: {  	lr =	sadd.s32 s0, s3;
	s0 =	sld [smem:$0x3FA7]  }
0x30: {  	s3 =	sld [smem:$0x3FAA]  }
0x31: {  	[smem:$0x3FB3] =	sst s10  }
0x32: {  	s10 =	sld [smem:$0x3FB1];
	_ =	sdelay $0x3  }
0x33: {  	p0 =	seq.s32 s10, $0x1;
	s10 =	sld [smem:$0x3FB3];
	_ =	sdelay $0x3  }
0x34: {  	[smem:$0x3FB3] =	sst s10  }
0x35: {  	s10 =	sld [smem:$0x3FB2];
	_ =	sdelay $0x3  }
0x36: {  	p1 =	seq.s32 s10, $0x1;
	s10 =	sld [smem:$0x3FB3];
	_ =	sdelay $0x3  }
0x37: {  	[smem:$0x3FB3] =	sst s10  }
0x38: {  	s10 =	sld [smem:$0x3FB4]  }
0x39: {  	_ = 	snop;
	(pc) =	sbr.ind lr, $3  }
0x3a: {  	_ = 	snop  }
0x3b: {  	_ = 	snop  }
0x3c: {  	p2 =	seq.s32 s10, $0x1;
	s10 =	sld [smem:$0x3FB3]  }
0x3d: {  	_ =	shalt  }
0x3e: {  	_ =	shalt  }
0x3f: {  	_ =	shalt  }
0x40: {  	_ =	shalt  }
0x41: {  	_ =	shalt  }
0x42: {  	_ =	shalt  }
0x43: {  	_ =	shalt  }
0x44: {  	_ =	shalt  }
0x45: {  	_ =	shalt  }
0x46: {  	_ =	shalt  }
0x47: {  	_ =	shalt  }
0x48: {  	_ =	shalt  }
0x49: {  	_ =	shalt  }
0x4a: {  	_ =	shalt  }
0x4b: {  	_ =	shalt  }
0x4c: {  	_ =	shalt  }
0x4d: {  	_ =	shalt  }
0x4e: {  	_ =	shalt  }
0x4f: {  	_ =	shalt  }
0x50: {  	_ =	shalt  }
0x51: {  	_ =	shalt  }
0x52: {  	_ =	shalt  }
0x53: {  	_ =	shalt  }
0x54: {  	_ =	shalt  }
0x55: {  	_ =	shalt  }
0x56: {  	_ =	shalt  }
0x57: {  	_ =	shalt  }
0x58: {  	_ =	shalt  }
0x59: {  	_ =	shalt  }
0x5a: {  	_ =	shalt  }
0x5b: {  	_ =	shalt  }
0x5c: {  	_ =	shalt  }
0x5d: {  	_ =	shalt  }
0x5e: {  	_ =	shalt  }
0x5f: {  	_ =	shalt  }
0x60: {  	_ =	shalt  }
0x61: {  	_ =	shalt  }
0x62: {  	_ =	shalt  }
0x63: {  	_ =	shalt  }
0x64: {  	_ =	shalt  }
0x65: {  	_ =	shalt  }
0x66: {  	_ =	shalt  }
0x67: {  	_ =	shalt  }
0x68: {  	_ =	shalt  }
0x69: {  	_ =	shalt  }
0x6a: {  	_ =	shalt  }
0x6b: {  	_ =	shalt  }
0x6c: {  	_ =	shalt  }
0x6d: {  	_ =	shalt  }
0x6e: {  	_ =	shalt  }
0x6f: {  	_ =	shalt  }
0x70: {  	_ =	shalt  }
0x71: {  	_ =	shalt  }
0x72: {  	_ =	shalt  }
0x73: {  	_ =	shalt  }
0x74: {  	_ =	shalt  }
0x75: {  	_ =	shalt  }
0x76: {  	_ =	shalt  }
0x77: {  	_ =	shalt  }
0x78: {  	_ =	shalt  }
0x79: {  	_ =	shalt  }
0x7a: {  	_ =	shalt  }
0x7b: {  	_ =	shalt  }
0x7c: {  	_ =	shalt  }
0x7d: {  	_ =	shalt  }
0x7e: {  	_ =	shalt  }
0x7f: {  	_ =	shalt  }
0x80: {  	_ =	shalt  }
0x81: {  	_ =	shalt  }
0x82: {  	_ =	shalt  }
0x83: {  	_ =	shalt  }
0x84: {  	_ =	shalt  }
0x85: {  	_ =	shalt  }
0x86: {  	_ =	shalt  }
0x87: {  	_ =	shalt  }
.Lfunc_end0:
.L_simem_size_0:
called_computation_lowered:
.L_overlay_start_0:
0x88: {  	s2 =	sld [smem:$0x3FD9]  }
0x89: {  	s3 =	sld [smem:$0x3FFE];
	_ =	sdelay $0x1  }
0x8a: {  	s1 =	srdreg.scid  }
0x8b: {  	s0 =	sand.u32 $0x1, s1  }
0x8c: {  	s17 =	sshll.u32 s0, $0xA;
	s2 =	sadd.s32 s3, s2  }
0x8d: {  	s2 =	sadd.s32 s2, s17  }
0x8e: {  	[smem:$0x3FBF] =	sst s2  }
0x8f: {  	_ = 	snop  }
0x90: {  	s2 =	sld [smem:$0x3FD0];
	(tm) =	ssettm $0x1  }
0x91: {  	s18 =	sld [smem:$0x3FFB];
	_ =	sdelay $0x3  }
0x92: {  	_ =	strace s18  }
0x93: {  	s3 =	sld [smem:$0x3FFC];
	_ =	sdelay $0x3  }
0x94: {  	_ =	strace s3  }
0x95: {  	s3 =	sld [smem:$0x3FFD];
	_ =	sdelay $0x3  }
0x96: {  	_ =	strace s3  }
0x97: {  	_ =	strace $0x8FFFFFFF  }
0x98: {  	s19 =	sld [smem:$0x3FDB];
	_ =	sdelay $0x1  }
0x99: {  	s4 =	simm.s32 $_scs_section_size  }
0x9a: {  	s5 =	simm.s32 $_size__tile_overlayer_lowered;
	s6 =	simm.s32 $_tile_overlayer_lowered  }
0x9b: {  	s22 =	simm.s32 $0x1BFF;
	s21 =	sshll.u32 s6, $0x1;
	s3 =	sadd.s32 s4, s19  }
0x9c: {  	s7 =	simm.s32 $0x0;
	s20 =	sshll.u32 s5, $0x1;
	s5 =	sadd.s32 s21, s3  }
0x9d: {  	[timem:s7], [sflag:s22] =	dma.local [hbm:s5], s20  }
0x9e: {  	_ =	swait.ge [sflag:s22], s20  }
0x9f: {  	s4 =	ssub.s32 $0x0, s20;
	[sflag:s22] =	ssyncset.done $0x0  }
0xa0: {  	[sflag:s22] =	ssyncadd.s32 s4;
	_ =	sdelay $0x1  }
0xa1: {  	s23 =	simm.s32 $0x1B8B  }
0xa2: {  	_ =	swait.ge [sflag:s23], $0x1  }
0xa3: {  	[sflag:s23] =	ssyncset.done $0x0  }
0xa4: {  	s25 =	simm.s32 $0x1B8E;
	s24 =	sld [smem:$0x3FFE];
	[sflag:s23] =	ssyncadd.s32 $0xFFFFFFFF  }
0xa5: {  	s26 =	simm.s32 $execute0_lowered;
	[smem:$0x3FD2] =	sst s25  }
0xa6: {  	s5 =	sshll.u32 s26, $0x1;
	_ =	strace $0x80000046;
	[dreg:$0x1] =	wrdreg $0xFFFFFFFF  }
0xa7: {  	s28 =	simm.s32 $_size_execute0_lowered;
	s3 =	sadd.s32 s3, s5;
	[dreg:$0x0] =	wrdreg $0x0  }
0xa8: {  	s5 =	sshll.u32 s28, $0x1;
	[dreg:$0x2] =	wrdreg s3  }
0xa9: {  	[dreg:$0x3] =	wrdreg s5  }
0xaa: {  	[dreg:$0x4] =	wrdreg $0xC0  }
0xab: {  	_ =	task [dreg:s7], $0x5FFFF  }
0xac: {  	[dreg:$0x1] =	wrdreg $0xFFFFFFFF  }
0xad: {  	[dreg:$0x0] =	wrdreg $0x60  }
0xae: {  	[dreg:$0x2] =	wrdreg s24  }
0xaf: {  	[dreg:$0x3] =	wrdreg s2  }
0xb0: {  	[dreg:$0x4] =	wrdreg $0x9  }
0xb1: {  	_ =	task.clear_ibuf [dreg:s7], $0x5FFFF;
	_ =	strace $0x90000046  }
0xb2: {  	s29 =	simm.s32 $0x9;
	_ =	strace $0x80000048  }
0xb3: {  	_ =	swait.ge [sflag:s29], $0x1  }
0xb4: {  	[sflag:s29] =	ssyncadd.s32 $0xFFFFFFFF  }
0xb5: {  	_ =	strace $0x90000048  }
0xb6: {  	_ =	sfence  }
0xb7: {  	s30 =	sld [smem:$0x0];
	_ =	sdelay $0x2  }
0xb8: {  	s31 =	sshll.u32 s1, $0xD;
	s1 =	sshrl.u32 s1, $0x2  }
0xb9: {  	s3 =	sand.u32 $0x4000, s31;
	s1 =	sadd.s32 s1, s30  }
0xba: {  	s0 =	sor.u32 s3, s0;
	s1 =	sshll.u32 s1, $0x11  }
0xbb: {  	s0 =	sor.u32 s1, s0  }
0xbc: {  	s0 =	sadd.s32 $0x8F2B, s0  }
0xbd: {  	[sflag:s0] =	ssyncadd.remote.s32 $0x1  }
0xbe: {  	_ =	sfence.sel $0xFFFF  }
0xbf: {  	[dreg:$0x0] =	wrdreg $0xFFFFFFFF;
	(pc) =	sbr.abs _section_cstart, $3  }
0xc0: {  	[dreg:$0x1] =	wrdreg $0xFFFFFFFF  }
0xc1: {  	_ =	task.clear_ibuf [dreg:s7], $0x2FFFF;
	_ =	strace $0x9FFFFFFF  }
0xc2: {  	(tm) =	ssettm $0x7FFFFFFF  }
0xc3: {  	_ =	shalt  }
tec
execute0_lowered:
.L_overlay_start_1:
0x0: {  	(tag) =	ssettag $0x1  }
0x1: {  	s5 =	rddreg [dreg:$0x0]  }
0x2: {  	s8 =	rddreg [dreg:$0x1]  }
0x3: {  	s0 =	rddreg [dreg:$0x2];
	s2 =	simm.s32 $0x0;
	s3 =	srdreg.scid  }
0x4: {  	s1 =	stileid.u32;
	s11 =	simm.s32 $0x1000;
	s12 =	simm.s32 $0x3  }
0x5: {  	s13 =	simm.s32 $0x1A00;
	s14 =	simm.s32 $0x1;
	s15 =	simm.s32 $0x2  }
0x6: {  	s16 =	simm.s32 $0x10400;
	s17 =	simm.s32 $0x10C00;
	s18 =	simm.s32 $0x0  }
0x7: {  	[smem:$0x7FF] =	sst s2;
	s4 =	sand.u32 $0x1, s3;
	s6 =	sshll.u32 s1, $0x5  }
0x8: {  	s3 =	sadd.s32 $0x57200, s5;
	s7 =	sshll.u32 s4, $0x4;
	s30 =	ssub.s32 $0x2, s4  }
0x9: {  	_ =	strace $0x80000047;
	s9 =	sor.u32 s7, s6;
	s31 =	sshrl.u32 s30, $0x1  }
0xa: {  	s4 =	sadd.s32 $0x7A00, s5;
	s7 =	sadd.s32 s9, s5;
	s10 =	ssub.s32 s30, s31  }
0xb: {  	s8 =	sadd.s32 s8, s9;
	s5 =	sadd.s32 $0x4600, s7;
	s6 =	sadd.s32 $0x1200, s7  }
0xc: {  	s7 =	sadd.s32 $0x54DE00, s7;
	s9 =	smax.u32 s10, $0x1;
	s10 =	simm.s32 $0x80  }
.LBB2_1:
0xd: {  	[tilespmem:s2], [sflag:$0x3] =	stream.strided.gather [hbm4b:s5+s10], $0xD00, s11, s10, $0x38;
	[tilespmem:$0x10C80] =	vst v63  }
0xe: {  	_ =	swait.ge [sflag:s12], $0xD00  }
0xf: {  	[sflag:s12] =	ssyncset.done $0x0  }
0x10: {  	[sflag:s12] =	ssyncadd.s32 $0xFFFFF300  }
0x11: {  	[tilespmem:s13], [sflag:$0x3] =	stream.strided.gather [hbm4b:s6+s10], $0xD00, s11, s10, $0x38;
	[tilespmem:$0x10C80] =	vst v63  }
0x12: {  	_ =	swait.ge [sflag:s12], $0xD00  }
0x13: {  	[sflag:s12] =	ssyncset.done $0x0  }
0x14: {  	s19 =	simm.s32 $0x0;
	[sflag:s12] =	ssyncadd.s32 $0xFFFFF300  }
0x15: {  	v0 =	vld [tilespmem:s19+$0x0];
	_ =	sdelay $0x2  }
0x16: {  	s20 =	simm.s32 $0x40  }
.LBB2_2:
0x17: {  	p0 =	sne.s32 s20, $0x33C0  }
.Ltmp0:
0x18: {  	s21 =	sshra.s32 s20, $0x2;
	s20 =	sadd.s32 $0x40, s20;
	v1 =	vshrl.u32 v0, $0x7;
	v2 =	vmov v0;
	(pc) =	sbr.rel @p0 .LBB2_2-.Ltmp0, $3  }
0x19: {  	v0 =	vld [tilespmem:s21+$0x0];
	v1 =	vmul.u32 $0x380, v1;
	_ =	sdelay $0x1  }
0x1a: {  	v1 =	vadd.s32 v2, v1  }
0x1b: {  	[tilespmem:s19+$0xD00] =	vst v1;
	s19 =	smov.u32 s21  }
0x1c: {  	_ = 	snop  }
0x1d: {  	v1 =	vshrl.u32 v0, $0x7  }
0x1e: {  	v1 =	vmul.u32 $0x380, v1;
	_ =	sdelay $0x1  }
0x1f: {  	v63 =	vadd.s32 v0, v1  }
0x20: {  	s29 =	simm.s32 $0x0;
	s20 =	simm.s32 $0xF700;
	[tilespmem:s19+$0xD00] =	vst v63  }
0x21: {  	[tilespmem:s20], [sflag:$0x2] =	stream.indirect.gather [hbm4b:s4+s10], $0x1, s29, s10, $0xb8;
	[tilespmem:$0x10C80] =	vst v63  }
0x22: {  	s30 =	simm.s32 $0x2700;
	s19 =	simm.s32 $0xD00  }
0x23: {  	[tilespmem:s30], [sflag:$0x1] =	stream.indirect.gather [hbm4b:s3+s10], $0x1, s19, s10, $0xb8;
	[tilespmem:$0x10C80] =	vst v63  }
0x24: {  	s31 =	simm.s32 $0x2780;
	s21 =	sadd.s32 $0x10, s3  }
0x25: {  	[tilespmem:s31], [sflag:$0x1] =	stream.indirect.gather [hbm4b:s21+s10], $0x1, s19, s10, $0xb8;
	[tilespmem:$0x10C80] =	vst v63  }
0x26: {  	s22 =	simm.s32 $0x2800;
	s23 =	sadd.s32 $0x20, s3  }
0x27: {  	[tilespmem:s22], [sflag:$0x1] =	stream.indirect.gather [hbm4b:s23+s10], $0x1, s19, s10, $0xb8;
	[tilespmem:$0x10C80] =	vst v63  }
0x28: {  	s24 =	simm.s32 $0x2880;
	s25 =	sadd.s32 $0x30, s3  }
0x29: {  	[tilespmem:s24], [sflag:$0x1] =	stream.indirect.gather [hbm4b:s25+s10], $0x1, s19, s10, $0xb8;
	[tilespmem:$0x10C80] =	vst v63  }
0x2a: {  	s26 =	simm.s32 $0x2900;
	s29 =	sadd.s32 $0x40, s3  }
0x2b: {  	[tilespmem:s26], [sflag:$0x1] =	stream.indirect.gather [hbm4b:s29+s10], $0x1, s19, s10, $0xb8;
	[tilespmem:$0x10C80] =	vst v63  }
0x2c: {  	s30 =	simm.s32 $0x2980;
	s31 =	sadd.s32 $0x50, s3  }
0x2d: {  	[tilespmem:s30], [sflag:$0x1] =	stream.indirect.gather [hbm4b:s31+s10], $0x1, s19, s10, $0xb8;
	[tilespmem:$0x10C80] =	vst v63  }
0x2e: {  	s22 =	simm.s32 $0x2A00;
	s23 =	sadd.s32 $0x60, s3  }
0x2f: {  	[tilespmem:s22], [sflag:$0x1] =	stream.indirect.gather [hbm4b:s23+s10], $0x1, s19, s10, $0xb8;
	[tilespmem:$0x10C80] =	vst v63  }
0x30: {  	s24 =	simm.s32 $0x2A80;
	s25 =	sadd.s32 $0x70, s3  }
0x31: {  	[tilespmem:s24], [sflag:$0x1] =	stream.indirect.gather [hbm4b:s25+s10], $0x1, s19, s10, $0xb8;
	[tilespmem:$0x10C80] =	vst v63  }
0x32: {  	s26 =	simm.s32 $0x2B00;
	s29 =	sadd.s32 $0x18700, s3  }
0x33: {  	[tilespmem:s26], [sflag:$0x1] =	stream.indirect.gather [hbm4b:s29+s10], $0x1, s19, s10, $0xb8;
	[tilespmem:$0x10C80] =	vst v63  }
0x34: {  	s30 =	simm.s32 $0x2B80;
	s31 =	sadd.s32 $0x18710, s3  }
0x35: {  	[tilespmem:s30], [sflag:$0x1] =	stream.indirect.gather [hbm4b:s31+s10], $0x1, s19, s10, $0xb8;
	[tilespmem:$0x10C80] =	vst v63  }
0x36: {  	s28 =	sadd.s32 $0x18770, s3;
	s22 =	simm.s32 $0x2C00;
	s23 =	sadd.s32 $0x18720, s3  }
0x37: {  	[tilespmem:s22], [sflag:$0x1] =	stream.indirect.gather [hbm4b:s23+s10], $0x1, s19, s10, $0xb8;
	[tilespmem:$0x10C80] =	vst v63  }
0x38: {  	s20 =	simm.s32 $0x2000;
	s24 =	simm.s32 $0x2C80;
	s25 =	sadd.s32 $0x18730, s3  }
0x39: {  	[tilespmem:s24], [sflag:$0x1] =	stream.indirect.gather [hbm4b:s25+s10], $0x1, s19, s10, $0xb8;
	[tilespmem:$0x10C80] =	vst v63  }
0x3a: {  	s21 =	sadd.s32 $0x30E0, s4;
	s26 =	simm.s32 $0x2D00;
	s29 =	sadd.s32 $0x18740, s3  }
0x3b: {  	[tilespmem:s26], [sflag:$0x1] =	stream.indirect.gather [hbm4b:s29+s10], $0x1, s19, s10, $0xb8;
	[tilespmem:$0x10C80] =	vst v63  }
0x3c: {  	s30 =	simm.s32 $0x2D80;
	s31 =	simm.s32 $0x2E00;
	s22 =	sadd.s32 $0x18750, s3  }
0x3d: {  	[tilespmem:s30], [sflag:$0x1] =	stream.indirect.gather [hbm4b:s22+s10], $0x1, s19, s10, $0xb8;
	[tilespmem:$0x10C80] =	vst v63  }
0x3e: {  	s23 =	sadd.s32 $0x18760, s3;
	s24 =	simm.s32 $0xF780;
	s25 =	sadd.s32 $0x30E00, s3  }
0x3f: {  	[tilespmem:s31], [sflag:$0x1] =	stream.indirect.gather [hbm4b:s23+s10], $0x1, s19, s10, $0xb8;
	[tilespmem:$0x10C80] =	vst v63  }
0x40: {  	s26 =	simm.s32 $0x2E80;
	s22 =	simm.s32 $0xD80;
	s23 =	simm.s32 $0x80  }
.LBB2_4:
0x41: {  	[tilespmem:s26], [sflag:$0x1] =	stream.indirect.gather [hbm4b:s28+s10], $0x1, s19, s10, $0xb8;
	[tilespmem:$0x10C80] =	vst v63  }
0x42: {  	s26 =	sshra.s32 s20, $0x2;
	p0 =	sne.s32 s20, $0x32000;
	s20 =	sadd.s32 $0x2000, s20  }
0x43: {  	[tilespmem:s24], [sflag:$0x2] =	stream.indirect.gather [hbm4b:s21+s10], $0x1, s23, s10, $0xb8;
	[tilespmem:$0x10C80] =	vst v63  }
0x44: {  	s19 =	smov.u32 s22;
	s28 =	sadd.s32 $0x2700, s26  }
0x45: {  	[tilespmem:s28], [sflag:$0x1] =	stream.indirect.gather [hbm4b:s25+s10], $0x1, s22, s10, $0xb8;
	[tilespmem:$0x10C80] =	vst v63  }
0x46: {  	s29 =	sadd.s32 $0x10, s25;
	s28 =	sadd.s32 $0x2780, s26  }
0x47: {  	[tilespmem:s28], [sflag:$0x1] =	stream.indirect.gather [hbm4b:s29+s10], $0x1, s22, s10, $0xb8;
	[tilespmem:$0x10C80] =	vst v63  }
0x48: {  	s28 =	sadd.s32 $0x2800, s26;
	s29 =	sadd.s32 $0x20, s25  }
0x49: {  	[tilespmem:s28], [sflag:$0x1] =	stream.indirect.gather [hbm4b:s29+s10], $0x1, s22, s10, $0xb8;
	[tilespmem:$0x10C80] =	vst v63  }
0x4a: {  	s28 =	sadd.s32 $0x2880, s26;
	s29 =	sadd.s32 $0x30, s25  }
0x4b: {  	[tilespmem:s28], [sflag:$0x1] =	stream.indirect.gather [hbm4b:s29+s10], $0x1, s22, s10, $0xb8;
	[tilespmem:$0x10C80] =	vst v63  }
0x4c: {  	s28 =	sadd.s32 $0x2900, s26;
	s29 =	sadd.s32 $0x40, s25  }
0x4d: {  	[tilespmem:s28], [sflag:$0x1] =	stream.indirect.gather [hbm4b:s29+s10], $0x1, s22, s10, $0xb8;
	[tilespmem:$0x10C80] =	vst v63  }
0x4e: {  	s28 =	sadd.s32 $0x2980, s26;
	s29 =	sadd.s32 $0x50, s25  }
0x4f: {  	[tilespmem:s28], [sflag:$0x1] =	stream.indirect.gather [hbm4b:s29+s10], $0x1, s22, s10, $0xb8;
	[tilespmem:$0x10C80] =	vst v63  }
0x50: {  	s28 =	sadd.s32 $0x2A00, s26;
	s29 =	sadd.s32 $0x60, s25  }
0x51: {  	[tilespmem:s28], [sflag:$0x1] =	stream.indirect.gather [hbm4b:s29+s10], $0x1, s22, s10, $0xb8;
	[tilespmem:$0x10C80] =	vst v63  }
0x52: {  	s28 =	sadd.s32 $0x2A80, s26;
	s29 =	sadd.s32 $0x70, s25  }
0x53: {  	[tilespmem:s28], [sflag:$0x1] =	stream.indirect.gather [hbm4b:s29+s10], $0x1, s22, s10, $0xb8;
	[tilespmem:$0x10C80] =	vst v63  }
0x54: {  	s28 =	sadd.s32 $0x2B00, s26;
	s29 =	sadd.s32 $0x18700, s25  }
0x55: {  	[tilespmem:s28], [sflag:$0x1] =	stream.indirect.gather [hbm4b:s29+s10], $0x1, s22, s10, $0xb8;
	[tilespmem:$0x10C80] =	vst v63  }
0x56: {  	s28 =	sadd.s32 $0x2B80, s26;
	s29 =	sadd.s32 $0x18710, s25  }
0x57: {  	[tilespmem:s28], [sflag:$0x1] =	stream.indirect.gather [hbm4b:s29+s10], $0x1, s22, s10, $0xb8;
	[tilespmem:$0x10C80] =	vst v63  }
0x58: {  	s21 =	sadd.s32 $0x30E0, s21;
	s28 =	sadd.s32 $0x2C00, s26;
	s29 =	sadd.s32 $0x18720, s25  }
0x59: {  	[tilespmem:s28], [sflag:$0x1] =	stream.indirect.gather [hbm4b:s29+s10], $0x1, s22, s10, $0xb8;
	[tilespmem:$0x10C80] =	vst v63  }
0x5a: {  	s28 =	sadd.s32 $0x2C80, s26;
	s29 =	sadd.s32 $0x18730, s25;
	s22 =	sadd.s32 $0x80, s22  }
0x5b: {  	[tilespmem:s28], [sflag:$0x1] =	stream.indirect.gather [hbm4b:s29+s10], $0x1, s19, s10, $0xb8;
	[tilespmem:$0x10C80] =	vst v63  }
0x5c: {  	s23 =	sadd.s32 $0x80, s23;
	s28 =	sadd.s32 $0x2D00, s26;
	s29 =	sadd.s32 $0x18740, s25  }
0x5d: {  	[tilespmem:s28], [sflag:$0x1] =	stream.indirect.gather [hbm4b:s29+s10], $0x1, s19, s10, $0xb8;
	[tilespmem:$0x10C80] =	vst v63  }
.Ltmp1:
0x5e: {  	s28 =	sadd.s32 $0x2D80, s26;
	s29 =	sadd.s32 $0x18750, s25;
	(pc) =	sbr.rel @p0 .LBB2_4-.Ltmp1, $4  }
0x5f: {  	[tilespmem:s28], [sflag:$0x1] =	stream.indirect.gather [hbm4b:s29+s10], $0x1, s19, s10, $0xb8;
	[tilespmem:$0x10C80] =	vst v63  }
0x60: {  	s24 =	sadd.s32 $0x80, s24;
	s28 =	sadd.s32 $0x2E00, s26;
	s29 =	sadd.s32 $0x18760, s25  }
0x61: {  	[tilespmem:s28], [sflag:$0x1] =	stream.indirect.gather [hbm4b:s29+s10], $0x1, s19, s10, $0xb8;
	[tilespmem:$0x10C80] =	vst v63  }
0x62: {  	s26 =	sadd.s32 $0x2E80, s26;
	s28 =	sadd.s32 $0x18770, s25;
	s25 =	sadd.s32 $0x30E00, s25  }
0x63: {  	[tilespmem:s26], [sflag:$0x1] =	stream.indirect.gather [hbm4b:s28+s10], $0x1, s19, s10, $0xb8;
	[tilespmem:$0x10C80] =	vst v63  }
0x64: {  	_ =	swait.ge [sflag:s14], $0xD000  }
0x65: {  	[sflag:s14] =	ssyncset.done $0x0  }
0x66: {  	[sflag:s14] =	ssyncadd.s32 $0xFFFF3000  }
0x67: {  	s30 =	simm.s32 $0x0;
	s21 =	simm.s32 $0x0;
	_ =	swait.ge [sflag:s15], $0xD00  }
0x68: {  	s20 =	sand.u32 $0x70, s30;
	s31 =	sand.u32 $0xFFFFFF80, s21;
	[sflag:s15] =	ssyncset.done $0x0  }
0x69: {  	s19 =	sor.u32 s20, s31;
	[sflag:s15] =	ssyncadd.s32 $0xFFFFF300  }
0x6a: {  	v0 =	vld [tilespmem:s19+$0x2700]  }
0x6b: {  	v1 =	vld [tilespmem:s20+$0x1B00]  }
0x6c: {  	s21 =	sand.u32 $0x3FFFFF80, s21;
	v2 =	vld [tilespmem:s20+$0x1A00]  }
0x6d: {  	s21 =	sor.u32 s20, s21;
	v3 =	vld [tilespmem:s20+$0x1A80]  }
0x6e: {  	v4 =	vld [tilespmem:s21+$0x2F00]  }
0x6f: {  	v5 =	vld [tilespmem:s21+$0x3700]  }
0x70: {  	v6 =	vld [tilespmem:s20+$0x1B80]  }
0x71: {  	v0 =	vmul.f32 v2, v0;
	v2 =	vld [tilespmem:s21+$0x3F00]  }
0x72: {  	v7 =	vld [tilespmem:s20+$0x1C00]  }
0x73: {  	v27 =	vld [tilespmem:s21+$0x4700];
	v3 =	vmul.f32 v3, v4;
	v8 =	vadd.f32 $0.0e+00, v0  }
0x74: {  	v28 =	vld [tilespmem:s20+$0x1C80];
	v1 =	vmul.f32 v1, v5  }
0x75: {  	v9 =	vld [tilespmem:s21+$0x4F00];
	v0 =	vmul.f32 v0, v0;
	v8 =	vadd.f32 v3, v8;
	v3 =	vmul.f32 v3, v3  }
0x76: {  	v29 =	vld [tilespmem:s20+$0x1D00];
	v2 =	vmul.f32 v6, v2  }
0x77: {  	v30 =	vld [tilespmem:s21+$0x5700];
	v0 =	vadd.f32 v3, v0;
	v3 =	vadd.f32 v1, v8;
	v1 =	vmul.f32 v1, v1  }
0x78: {  	v31 =	vld [tilespmem:s20+$0x1D80];
	v4 =	vmul.f32 v7, v27  }
0x79: {  	v0 =	vadd.f32 v1, v0;
	v1 =	vadd.f32 v2, v3;
	v2 =	vmul.f32 v2, v2;
	v3 =	vld [tilespmem:s21+$0x5F00]  }
0x7a: {  	v32 =	vld [tilespmem:s20+$0x1E00];
	v5 =	vmul.f32 v28, v9  }
0x7b: {  	v33 =	vld [tilespmem:s21+$0x6700];
	v0 =	vadd.f32 v2, v0;
	v1 =	vadd.f32 v4, v1;
	v2 =	vmul.f32 v4, v4  }
0x7c: {  	v34 =	vld [tilespmem:s20+$0x1E80];
	v6 =	vmul.f32 v29, v30  }
0x7d: {  	v35 =	vld [tilespmem:s21+$0x6F00];
	v0 =	vadd.f32 v2, v0;
	v1 =	vadd.f32 v5, v1;
	v2 =	vmul.f32 v5, v5  }
0x7e: {  	v36 =	vld [tilespmem:s20+$0x1F00];
	v3 =	vmul.f32 v31, v3  }
0x7f: {  	v37 =	vld [tilespmem:s21+$0x7700];
	v0 =	vadd.f32 v2, v0;
	v1 =	vadd.f32 v6, v1;
	v2 =	vmul.f32 v6, v6  }
0x80: {  	v38 =	vld [tilespmem:s20+$0x1F80];
	v4 =	vmul.f32 v32, v33  }
0x81: {  	v0 =	vadd.f32 v2, v0;
	v1 =	vadd.f32 v3, v1;
	v2 =	vmul.f32 v3, v3;
	v3 =	vld [tilespmem:s21+$0x7F00]  }
0x82: {  	v39 =	vld [tilespmem:s20+$0x2000];
	v5 =	vmul.f32 v34, v35  }
0x83: {  	v40 =	vld [tilespmem:s21+$0x8700];
	v0 =	vadd.f32 v2, v0;
	v1 =	vadd.f32 v4, v1;
	v2 =	vmul.f32 v4, v4  }
0x84: {  	v41 =	vld [tilespmem:s20+$0x2080];
	v6 =	vmul.f32 v36, v37  }
0x85: {  	v42 =	vld [tilespmem:s21+$0x8F00];
	v0 =	vadd.f32 v2, v0;
	v1 =	vadd.f32 v5, v1;
	v2 =	vmul.f32 v5, v5  }
0x86: {  	v43 =	vld [tilespmem:s20+$0x2100];
	v3 =	vmul.f32 v38, v3  }
0x87: {  	v44 =	vld [tilespmem:s21+$0x9700];
	v0 =	vadd.f32 v2, v0;
	v1 =	vadd.f32 v6, v1;
	v2 =	vmul.f32 v6, v6  }
0x88: {  	v45 =	vld [tilespmem:s20+$0x2180];
	v4 =	vmul.f32 v39, v40  }
0x89: {  	v0 =	vadd.f32 v2, v0;
	v1 =	vadd.f32 v3, v1;
	v2 =	vmul.f32 v3, v3;
	v3 =	vld [tilespmem:s21+$0x9F00]  }
0x8a: {  	v46 =	vld [tilespmem:s20+$0x2200];
	v5 =	vmul.f32 v41, v42  }
0x8b: {  	v47 =	vld [tilespmem:s21+$0xA700];
	v0 =	vadd.f32 v2, v0;
	v1 =	vadd.f32 v4, v1;
	v2 =	vmul.f32 v4, v4  }
0x8c: {  	v48 =	vld [tilespmem:s20+$0x2280];
	v6 =	vmul.f32 v43, v44  }
0x8d: {  	v49 =	vld [tilespmem:s21+$0xAF00];
	v0 =	vadd.f32 v2, v0;
	v1 =	vadd.f32 v5, v1;
	v2 =	vmul.f32 v5, v5  }
0x8e: {  	v50 =	vld [tilespmem:s20+$0x2300];
	v3 =	vmul.f32 v45, v3  }
0x8f: {  	v51 =	vld [tilespmem:s21+$0xB700];
	v0 =	vadd.f32 v2, v0;
	v1 =	vadd.f32 v6, v1;
	v2 =	vmul.f32 v6, v6  }
0x90: {  	v52 =	vld [tilespmem:s20+$0x2380];
	v4 =	vmul.f32 v46, v47  }
0x91: {  	v0 =	vadd.f32 v2, v0;
	v1 =	vadd.f32 v3, v1;
	v2 =	vmul.f32 v3, v3;
	v3 =	vld [tilespmem:s21+$0xBF00]  }
0x92: {  	v53 =	vld [tilespmem:s20+$0x2400];
	v5 =	vmul.f32 v48, v49  }
0x93: {  	v54 =	vld [tilespmem:s21+$0xC700];
	v0 =	vadd.f32 v2, v0;
	v1 =	vadd.f32 v4, v1;
	v2 =	vmul.f32 v4, v4  }
0x94: {  	v55 =	vld [tilespmem:s20+$0x2480];
	v6 =	vmul.f32 v50, v51  }
0x95: {  	v56 =	vld [tilespmem:s21+$0xCF00];
	v0 =	vadd.f32 v2, v0;
	v1 =	vadd.f32 v5, v1;
	v2 =	vmul.f32 v5, v5  }
0x96: {  	v57 =	vld [tilespmem:s20+$0x2500];
	v3 =	vmul.f32 v52, v3  }
0x97: {  	v58 =	vld [tilespmem:s21+$0xD700];
	v0 =	vadd.f32 v2, v0;
	v1 =	vadd.f32 v6, v1;
	v2 =	vmul.f32 v6, v6  }
0x98: {  	v59 =	vld [tilespmem:s20+$0x2580];
	v4 =	vmul.f32 v53, v54  }
0x99: {  	v0 =	vadd.f32 v2, v0;
	v1 =	vadd.f32 v3, v1;
	v2 =	vmul.f32 v3, v3;
	v3 =	vld [tilespmem:s21+$0xDF00]  }
0x9a: {  	v60 =	vld [tilespmem:s20+$0x2600];
	v5 =	vmul.f32 v55, v56  }
0x9b: {  	v61 =	vld [tilespmem:s21+$0xE700];
	v0 =	vadd.f32 v2, v0;
	v1 =	vadd.f32 v4, v1;
	v2 =	vmul.f32 v4, v4  }
0x9c: {  	v62 =	vld [tilespmem:s20+$0x2680];
	v6 =	vmul.f32 v57, v58  }
0x9d: {  	v63 =	vld [tilespmem:s21+$0xEF00];
	v0 =	vadd.f32 v2, v0;
	v1 =	vadd.f32 v5, v1;
	v2 =	vmul.f32 v5, v5  }
0x9e: {  	v3 =	vmul.f32 v59, v3  }
0x9f: {  	v0 =	vadd.f32 v2, v0;
	v1 =	vadd.f32 v6, v1;
	v2 =	vmul.f32 v6, v6  }
0xa0: {  	v4 =	vmul.f32 v60, v61  }
0xa1: {  	v0 =	vadd.f32 v2, v0;
	v1 =	vadd.f32 v3, v1;
	v2 =	vmul.f32 v3, v3  }
0xa2: {  	v3 =	vmul.f32 v62, v63  }
0xa3: {  	v0 =	vadd.f32 v2, v0;
	v1 =	vadd.f32 v4, v1;
	v2 =	vmul.f32 v4, v4;
	_ =	sdelay $0x1  }
0xa4: {  	v0 =	vadd.f32 v2, v0;
	v1 =	vadd.f32 v3, v1;
	v2 =	vmul.f32 v3, v3;
	_ =	sdelay $0x1  }
0xa5: {  	v0 =	vadd.f32 v2, v0;
	v1 =	vmul.f32 v1, v1;
	_ =	sdelay $0x1  }
0xa6: {  	v0 =	vsub.f32 v1, v0  }
0xa7: {  	s24 =	simm.s32 $0x10;
	s21 =	simm.s32 $0x10  }
0xa8: {  	s22 =	sand.u32 $0xFFFFFF80, s24;
	s20 =	sand.u32 $0x70, s21;
	v0 =	vmul.f32 $5.000000000e-01, v0  }
0xa9: {  	s23 =	sor.u32 s20, s22;
	s22 =	simm.s32 $0x2  }
.LBB2_6:
0xaa: {  	p0 =	sne.s32 s22, $0x7F;
	v1 =	vld [tilespmem:s23+$0x2700];
	[tilespmem:s19+$0x10400] =	vst v0;
	s19 =	smov.u32 s23  }
0xab: {  	v0 =	vld [tilespmem:s20+$0x1B00]  }
0xac: {  	s23 =	sand.u32 $0x3FFFFF80, s24;
	v2 =	vld [tilespmem:s20+$0x1A00]  }
0xad: {  	s23 =	sor.u32 s20, s23;
	v3 =	vld [tilespmem:s20+$0x1A80]  }
0xae: {  	v4 =	vld [tilespmem:s23+$0x2F00]  }
0xaf: {  	v5 =	vld [tilespmem:s23+$0x3700]  }
0xb0: {  	v6 =	vld [tilespmem:s20+$0x1B80]  }
0xb1: {  	v1 =	vmul.f32 v2, v1;
	v2 =	vld [tilespmem:s23+$0x3F00]  }
0xb2: {  	v7 =	vld [tilespmem:s20+$0x1C00]  }
0xb3: {  	v8 =	vadd.f32 $0.0e+00, v1;
	v3 =	vmul.f32 v3, v4;
	v4 =	vld [tilespmem:s23+$0x4700]  }
0xb4: {  	v0 =	vmul.f32 v0, v5;
	v5 =	vld [tilespmem:s20+$0x1C80]  }
0xb5: {  	v1 =	vmul.f32 v1, v1;
	v8 =	vadd.f32 v3, v8;
	v3 =	vmul.f32 v3, v3;
	v9 =	vld [tilespmem:s23+$0x4F00]  }
0xb6: {  	v2 =	vmul.f32 v6, v2;
	v6 =	vld [tilespmem:s20+$0x1D00]  }
0xb7: {  	v1 =	vadd.f32 v3, v1;
	v3 =	vadd.f32 v0, v8;
	v0 =	vmul.f32 v0, v0;
	v8 =	vld [tilespmem:s23+$0x5700]  }
0xb8: {  	v4 =	vmul.f32 v7, v4;
	v7 =	vld [tilespmem:s20+$0x1D80]  }
0xb9: {  	v0 =	vadd.f32 v0, v1;
	v1 =	vadd.f32 v2, v3;
	v2 =	vmul.f32 v2, v2;
	v3 =	vld [tilespmem:s23+$0x5F00]  }
0xba: {  	v5 =	vmul.f32 v5, v9;
	v9 =	vld [tilespmem:s20+$0x1E00]  }
0xbb: {  	v0 =	vadd.f32 v2, v0;
	v1 =	vadd.f32 v4, v1;
	v2 =	vmul.f32 v4, v4;
	v4 =	vld [tilespmem:s23+$0x6700]  }
0xbc: {  	v6 =	vmul.f32 v6, v8;
	v8 =	vld [tilespmem:s20+$0x1E80]  }
0xbd: {  	v0 =	vadd.f32 v2, v0;
	v1 =	vadd.f32 v5, v1;
	v2 =	vmul.f32 v5, v5;
	v5 =	vld [tilespmem:s23+$0x6F00]  }
0xbe: {  	v3 =	vmul.f32 v7, v3;
	v7 =	vld [tilespmem:s20+$0x1F00]  }
0xbf: {  	v0 =	vadd.f32 v2, v0;
	v1 =	vadd.f32 v6, v1;
	v2 =	vmul.f32 v6, v6;
	v6 =	vld [tilespmem:s23+$0x7700]  }
0xc0: {  	v4 =	vmul.f32 v9, v4;
	v9 =	vld [tilespmem:s20+$0x1F80]  }
0xc1: {  	v0 =	vadd.f32 v2, v0;
	v1 =	vadd.f32 v3, v1;
	v2 =	vmul.f32 v3, v3;
	v3 =	vld [tilespmem:s23+$0x7F00]  }
0xc2: {  	v5 =	vmul.f32 v8, v5;
	v8 =	vld [tilespmem:s20+$0x2000]  }
0xc3: {  	v0 =	vadd.f32 v2, v0;
	v1 =	vadd.f32 v4, v1;
	v2 =	vmul.f32 v4, v4;
	v4 =	vld [tilespmem:s23+$0x8700]  }
0xc4: {  	v6 =	vmul.f32 v7, v6;
	v7 =	vld [tilespmem:s20+$0x2080]  }
0xc5: {  	v0 =	vadd.f32 v2, v0;
	v1 =	vadd.f32 v5, v1;
	v2 =	vmul.f32 v5, v5;
	v5 =	vld [tilespmem:s23+$0x8F00]  }
0xc6: {  	v3 =	vmul.f32 v9, v3;
	v9 =	vld [tilespmem:s20+$0x2100]  }
0xc7: {  	v0 =	vadd.f32 v2, v0;
	v1 =	vadd.f32 v6, v1;
	v2 =	vmul.f32 v6, v6;
	v6 =	vld [tilespmem:s23+$0x9700]  }
0xc8: {  	v4 =	vmul.f32 v8, v4;
	v8 =	vld [tilespmem:s20+$0x2180]  }
0xc9: {  	v0 =	vadd.f32 v2, v0;
	v1 =	vadd.f32 v3, v1;
	v2 =	vmul.f32 v3, v3;
	v3 =	vld [tilespmem:s23+$0x9F00]  }
0xca: {  	v5 =	vmul.f32 v7, v5;
	v7 =	vld [tilespmem:s20+$0x2200]  }
0xcb: {  	v0 =	vadd.f32 v2, v0;
	v1 =	vadd.f32 v4, v1;
	v2 =	vmul.f32 v4, v4;
	v4 =	vld [tilespmem:s23+$0xA700]  }
0xcc: {  	v6 =	vmul.f32 v9, v6;
	v9 =	vld [tilespmem:s20+$0x2280]  }
0xcd: {  	v0 =	vadd.f32 v2, v0;
	v1 =	vadd.f32 v5, v1;
	v2 =	vmul.f32 v5, v5;
	v5 =	vld [tilespmem:s23+$0xAF00]  }
0xce: {  	v3 =	vmul.f32 v8, v3;
	v8 =	vld [tilespmem:s20+$0x2300]  }
0xcf: {  	v0 =	vadd.f32 v2, v0;
	v1 =	vadd.f32 v6, v1;
	v2 =	vmul.f32 v6, v6;
	v6 =	vld [tilespmem:s23+$0xB700]  }
0xd0: {  	v4 =	vmul.f32 v7, v4;
	v7 =	vld [tilespmem:s20+$0x2380]  }
0xd1: {  	v0 =	vadd.f32 v2, v0;
	v1 =	vadd.f32 v3, v1;
	v2 =	vmul.f32 v3, v3;
	v3 =	vld [tilespmem:s23+$0xBF00]  }
0xd2: {  	v5 =	vmul.f32 v9, v5;
	v9 =	vld [tilespmem:s20+$0x2400]  }
0xd3: {  	v0 =	vadd.f32 v2, v0;
	v1 =	vadd.f32 v4, v1;
	v2 =	vmul.f32 v4, v4;
	v4 =	vld [tilespmem:s23+$0xC700]  }
0xd4: {  	v6 =	vmul.f32 v8, v6;
	v8 =	vld [tilespmem:s20+$0x2480]  }
0xd5: {  	v0 =	vadd.f32 v2, v0;
	v1 =	vadd.f32 v5, v1;
	v2 =	vmul.f32 v5, v5;
	v5 =	vld [tilespmem:s23+$0xCF00]  }
0xd6: {  	v3 =	vmul.f32 v7, v3;
	v7 =	vld [tilespmem:s20+$0x2500]  }
0xd7: {  	v0 =	vadd.f32 v2, v0;
	v1 =	vadd.f32 v6, v1;
	v2 =	vmul.f32 v6, v6;
	v6 =	vld [tilespmem:s23+$0xD700]  }
0xd8: {  	v4 =	vmul.f32 v9, v4;
	v9 =	vld [tilespmem:s20+$0x2580]  }
0xd9: {  	v0 =	vadd.f32 v2, v0;
	v1 =	vadd.f32 v3, v1;
	v2 =	vmul.f32 v3, v3;
	v3 =	vld [tilespmem:s23+$0xDF00]  }
0xda: {  	v5 =	vmul.f32 v8, v5;
	v8 =	vld [tilespmem:s20+$0x2600]  }
0xdb: {  	v0 =	vadd.f32 v2, v0;
	v1 =	vadd.f32 v4, v1;
	v2 =	vmul.f32 v4, v4;
	v4 =	vld [tilespmem:s23+$0xE700]  }
0xdc: {  	v6 =	vmul.f32 v7, v6;
	v7 =	vld [tilespmem:s20+$0x2680]  }
0xdd: {  	v0 =	vadd.f32 v2, v0;
	v1 =	vadd.f32 v5, v1;
	v2 =	vmul.f32 v5, v5;
	v5 =	vld [tilespmem:s23+$0xEF00]  }
0xde: {  	v3 =	vmul.f32 v9, v3  }
0xdf: {  	v0 =	vadd.f32 v2, v0;
	v1 =	vadd.f32 v6, v1;
	v2 =	vmul.f32 v6, v6  }
0xe0: {  	v4 =	vmul.f32 v8, v4  }
0xe1: {  	v0 =	vadd.f32 v2, v0;
	v1 =	vadd.f32 v3, v1;
	v2 =	vmul.f32 v3, v3  }
0xe2: {  	v3 =	vmul.f32 v7, v5  }
0xe3: {  	v0 =	vadd.f32 v2, v0;
	v1 =	vadd.f32 v4, v1;
	v2 =	vmul.f32 v4, v4;
	_ =	sdelay $0x1  }
0xe4: {  	v0 =	vadd.f32 v2, v0;
	v1 =	vadd.f32 v3, v1;
	v2 =	vmul.f32 v3, v3;
	_ =	sdelay $0x1  }
0xe5: {  	v0 =	vadd.f32 v2, v0;
	v1 =	vmul.f32 v1, v1  }
.Ltmp2:
0xe6: {  	(pc) =	sbr.rel @p0 .LBB2_6-.Ltmp2, $4  }
0xe7: {  	v0 =	vsub.f32 v1, v0  }
0xe8: {  	s24 =	sshll.u32 s22, $0x4;
	s21 =	sadd.s32 $0x10, s21  }
0xe9: {  	s20 =	sand.u32 $0x70, s21;
	s23 =	sand.u32 $0xFFFFFF80, s24;
	v0 =	vmul.f32 $5.000000000e-01, v0  }
0xea: {  	s22 =	sadd.s32 $0x1, s22;
	s23 =	sor.u32 s20, s23  }
0xeb: {  	v1 =	vld [tilespmem:s23+$0x2700];
	[tilespmem:s19+$0x10400] =	vst v0  }
0xec: {  	v0 =	vld [tilespmem:s20+$0x1B00]  }
0xed: {  	s31 =	sand.u32 $0x3FFFFF80, s24;
	v2 =	vld [tilespmem:s20+$0x1A00]  }
0xee: {  	s19 =	sor.u32 s20, s31;
	v3 =	vld [tilespmem:s20+$0x1A80]  }
0xef: {  	v4 =	vld [tilespmem:s19+$0x2F00]  }
0xf0: {  	v5 =	vld [tilespmem:s19+$0x3700]  }
0xf1: {  	v6 =	vld [tilespmem:s20+$0x1B80]  }
0xf2: {  	v1 =	vmul.f32 v2, v1;
	v2 =	vld [tilespmem:s19+$0x3F00]  }
0xf3: {  	v7 =	vld [tilespmem:s20+$0x1C00]  }
0xf4: {  	v3 =	vmul.f32 v3, v4;
	v4 =	vld [tilespmem:s19+$0x4700];
	v8 =	vadd.f32 $0.0e+00, v1  }
0xf5: {  	v9 =	vld [tilespmem:s19+$0x4F00];
	v0 =	vmul.f32 v0, v5  }
0xf6: {  	v5 =	vld [tilespmem:s20+$0x1C80];
	v1 =	vmul.f32 v1, v1;
	v8 =	vadd.f32 v3, v8;
	v3 =	vmul.f32 v3, v3  }
0xf7: {  	v2 =	vmul.f32 v6, v2;
	v6 =	vld [tilespmem:s20+$0x1D00]  }
0xf8: {  	v1 =	vadd.f32 v3, v1;
	v3 =	vadd.f32 v0, v8;
	v0 =	vmul.f32 v0, v0;
	v8 =	vld [tilespmem:s19+$0x5700]  }
0xf9: {  	v4 =	vmul.f32 v7, v4;
	v7 =	vld [tilespmem:s20+$0x1D80]  }
0xfa: {  	v0 =	vadd.f32 v0, v1;
	v1 =	vadd.f32 v2, v3;
	v2 =	vmul.f32 v2, v2;
	v3 =	vld [tilespmem:s19+$0x5F00]  }
0xfb: {  	v57 =	vld [tilespmem:s20+$0x1E00];
	v5 =	vmul.f32 v5, v9  }
0xfc: {  	v0 =	vadd.f32 v2, v0;
	v1 =	vadd.f32 v4, v1;
	v2 =	vmul.f32 v4, v4;
	v4 =	vld [tilespmem:s19+$0x6700]  }
0xfd: {  	v6 =	vmul.f32 v6, v8;
	v8 =	vld [tilespmem:s20+$0x1E80]  }
0xfe: {  	v0 =	vadd.f32 v2, v0;
	v1 =	vadd.f32 v5, v1;
	v2 =	vmul.f32 v5, v5;
	v5 =	vld [tilespmem:s19+$0x6F00]  }
0xff: {  	v3 =	vmul.f32 v7, v3;
	v7 =	vld [tilespmem:s20+$0x1F00]  }
0x100: {  	v0 =	vadd.f32 v2, v0;
	v1 =	vadd.f32 v6, v1;
	v2 =	vmul.f32 v6, v6;
	v6 =	vld [tilespmem:s19+$0x7700]  }
0x101: {  	v58 =	vld [tilespmem:s20+$0x1F80];
	v4 =	vmul.f32 v57, v4  }
0x102: {  	v0 =	vadd.f32 v2, v0;
	v1 =	vadd.f32 v3, v1;
	v2 =	vmul.f32 v3, v3;
	v3 =	vld [tilespmem:s19+$0x7F00]  }
0x103: {  	v5 =	vmul.f32 v8, v5;
	v8 =	vld [tilespmem:s20+$0x2000]  }
0x104: {  	v0 =	vadd.f32 v2, v0;
	v1 =	vadd.f32 v4, v1;
	v2 =	vmul.f32 v4, v4;
	v4 =	vld [tilespmem:s19+$0x8700]  }
0x105: {  	v6 =	vmul.f32 v7, v6;
	v7 =	vld [tilespmem:s20+$0x2080]  }
0x106: {  	v0 =	vadd.f32 v2, v0;
	v1 =	vadd.f32 v5, v1;
	v2 =	vmul.f32 v5, v5;
	v5 =	vld [tilespmem:s19+$0x8F00]  }
0x107: {  	v59 =	vld [tilespmem:s20+$0x2100];
	v3 =	vmul.f32 v58, v3  }
0x108: {  	v0 =	vadd.f32 v2, v0;
	v1 =	vadd.f32 v6, v1;
	v2 =	vmul.f32 v6, v6;
	v6 =	vld [tilespmem:s19+$0x9700]  }
0x109: {  	v4 =	vmul.f32 v8, v4;
	v8 =	vld [tilespmem:s20+$0x2180]  }
0x10a: {  	v0 =	vadd.f32 v2, v0;
	v1 =	vadd.f32 v3, v1;
	v2 =	vmul.f32 v3, v3;
	v3 =	vld [tilespmem:s19+$0x9F00]  }
0x10b: {  	v5 =	vmul.f32 v7, v5;
	v7 =	vld [tilespmem:s20+$0x2200]  }
0x10c: {  	v0 =	vadd.f32 v2, v0;
	v1 =	vadd.f32 v4, v1;
	v2 =	vmul.f32 v4, v4;
	v4 =	vld [tilespmem:s19+$0xA700]  }
0x10d: {  	v60 =	vld [tilespmem:s20+$0x2280];
	v6 =	vmul.f32 v59, v6  }
0x10e: {  	v0 =	vadd.f32 v2, v0;
	v1 =	vadd.f32 v5, v1;
	v2 =	vmul.f32 v5, v5;
	v5 =	vld [tilespmem:s19+$0xAF00]  }
0x10f: {  	v3 =	vmul.f32 v8, v3;
	v8 =	vld [tilespmem:s20+$0x2300]  }
0x110: {  	v0 =	vadd.f32 v2, v0;
	v1 =	vadd.f32 v6, v1;
	v2 =	vmul.f32 v6, v6;
	v6 =	vld [tilespmem:s19+$0xB700]  }
0x111: {  	v4 =	vmul.f32 v7, v4;
	v7 =	vld [tilespmem:s20+$0x2380]  }
0x112: {  	v0 =	vadd.f32 v2, v0;
	v1 =	vadd.f32 v3, v1;
	v2 =	vmul.f32 v3, v3;
	v3 =	vld [tilespmem:s19+$0xBF00]  }
0x113: {  	v61 =	vld [tilespmem:s20+$0x2400];
	v5 =	vmul.f32 v60, v5  }
0x114: {  	v0 =	vadd.f32 v2, v0;
	v1 =	vadd.f32 v4, v1;
	v2 =	vmul.f32 v4, v4;
	v4 =	vld [tilespmem:s19+$0xC700]  }
0x115: {  	v6 =	vmul.f32 v8, v6;
	v8 =	vld [tilespmem:s20+$0x2480]  }
0x116: {  	v0 =	vadd.f32 v2, v0;
	v1 =	vadd.f32 v5, v1;
	v2 =	vmul.f32 v5, v5;
	v5 =	vld [tilespmem:s19+$0xCF00]  }
0x117: {  	v3 =	vmul.f32 v7, v3;
	v7 =	vld [tilespmem:s20+$0x2500]  }
0x118: {  	v0 =	vadd.f32 v2, v0;
	v1 =	vadd.f32 v6, v1;
	v2 =	vmul.f32 v6, v6;
	v6 =	vld [tilespmem:s19+$0xD700]  }
0x119: {  	v62 =	vld [tilespmem:s20+$0x2580];
	v4 =	vmul.f32 v61, v4  }
0x11a: {  	v0 =	vadd.f32 v2, v0;
	v1 =	vadd.f32 v3, v1;
	v2 =	vmul.f32 v3, v3;
	v3 =	vld [tilespmem:s19+$0xDF00]  }
0x11b: {  	v5 =	vmul.f32 v8, v5;
	v8 =	vld [tilespmem:s20+$0x2600]  }
0x11c: {  	v0 =	vadd.f32 v2, v0;
	v1 =	vadd.f32 v4, v1;
	v2 =	vmul.f32 v4, v4;
	v4 =	vld [tilespmem:s19+$0xE700]  }
0x11d: {  	v6 =	vmul.f32 v7, v6;
	v7 =	vld [tilespmem:s20+$0x2680]  }
0x11e: {  	v0 =	vadd.f32 v2, v0;
	v1 =	vadd.f32 v5, v1;
	v2 =	vmul.f32 v5, v5;
	v5 =	vld [tilespmem:s19+$0xEF00]  }
0x11f: {  	v3 =	vmul.f32 v62, v3  }
0x120: {  	v0 =	vadd.f32 v2, v0;
	v1 =	vadd.f32 v6, v1;
	v2 =	vmul.f32 v6, v6  }
0x121: {  	v4 =	vmul.f32 v8, v4  }
0x122: {  	v0 =	vadd.f32 v2, v0;
	v1 =	vadd.f32 v3, v1;
	v2 =	vmul.f32 v3, v3  }
0x123: {  	v3 =	vmul.f32 v7, v5  }
0x124: {  	v0 =	vadd.f32 v2, v0;
	v1 =	vadd.f32 v4, v1;
	v2 =	vmul.f32 v4, v4;
	_ =	sdelay $0x1  }
0x125: {  	v0 =	vadd.f32 v2, v0;
	v1 =	vadd.f32 v3, v1;
	v2 =	vmul.f32 v3, v3;
	_ =	sdelay $0x1  }
0x126: {  	v0 =	vadd.f32 v2, v0;
	v1 =	vmul.f32 v1, v1;
	_ =	sdelay $0x1  }
0x127: {  	v0 =	vsub.f32 v1, v0;
	_ =	sdelay $0x1  }
0x128: {  	v0 =	vmul.f32 $5.000000000e-01, v0;
	_ =	sdelay $0x1  }
0x129: {  	s19 =	simm.s32 $0x0;
	[tilespmem:s23+$0x10400] =	vst v0  }
0x12a: {  	v0 =	vld [tilespmem:s19+$0xF700]  }
0x12b: {  	v1 =	vld [tilespmem:s19+$0x1A00]  }
0x12c: {  	v2 =	vld [tilespmem:s19+$0xF780]  }
0x12d: {  	v3 =	vld [tilespmem:s19+$0x1A80]  }
0x12e: {  	v4 =	vld [tilespmem:s19+$0xF800]  }
0x12f: {  	v5 =	vld [tilespmem:s19+$0x1B00]  }
0x130: {  	v6 =	vld [tilespmem:s19+$0x1B80];
	v0 =	vmul.f32 v1, v0  }
0x131: {  	v1 =	vld [tilespmem:s19+$0xF880]  }
0x132: {  	v7 =	vld [tilespmem:s19+$0x1C00];
	v2 =	vmul.f32 v3, v2;
	v0 =	vadd.f32 $0.0e+00, v0  }
0x133: {  	v3 =	vld [tilespmem:s19+$0xF900]  }
0x134: {  	v0 =	vadd.f32 v2, v0;
	v2 =	vmul.f32 v5, v4;
	v4 =	vld [tilespmem:s19+$0xF980]  }
0x135: {  	v5 =	vld [tilespmem:s19+$0x1C80]  }
0x136: {  	v1 =	vmul.f32 v6, v1;
	v6 =	vld [tilespmem:s19+$0x1D00];
	v0 =	vadd.f32 v2, v0  }
0x137: {  	v2 =	vld [tilespmem:s19+$0xFA00]  }
0x138: {  	v0 =	vadd.f32 v1, v0;
	v1 =	vmul.f32 v7, v3;
	v3 =	vld [tilespmem:s19+$0xFA80]  }
0x139: {  	v7 =	vld [tilespmem:s19+$0x1D80]  }
0x13a: {  	v0 =	vadd.f32 v1, v0;
	v1 =	vmul.f32 v5, v4;
	v4 =	vld [tilespmem:s19+$0xFB00]  }
0x13b: {  	v5 =	vld [tilespmem:s19+$0x1E00]  }
0x13c: {  	v0 =	vadd.f32 v1, v0;
	v1 =	vmul.f32 v6, v2;
	v2 =	vld [tilespmem:s19+$0xFB80]  }
0x13d: {  	v6 =	vld [tilespmem:s19+$0x1E80]  }
0x13e: {  	v0 =	vadd.f32 v1, v0;
	v1 =	vmul.f32 v7, v3;
	v3 =	vld [tilespmem:s19+$0xFC00]  }
0x13f: {  	v7 =	vld [tilespmem:s19+$0x1F00]  }
0x140: {  	v0 =	vadd.f32 v1, v0;
	v1 =	vmul.f32 v5, v4;
	v4 =	vld [tilespmem:s19+$0xFC80]  }
0x141: {  	v5 =	vld [tilespmem:s19+$0x1F80]  }
0x142: {  	v0 =	vadd.f32 v1, v0;
	v1 =	vmul.f32 v6, v2;
	v2 =	vld [tilespmem:s19+$0xFD00]  }
0x143: {  	v6 =	vld [tilespmem:s19+$0x2000]  }
0x144: {  	v0 =	vadd.f32 v1, v0;
	v1 =	vmul.f32 v7, v3;
	v3 =	vld [tilespmem:s19+$0xFD80]  }
0x145: {  	v7 =	vld [tilespmem:s19+$0x2080]  }
0x146: {  	v0 =	vadd.f32 v1, v0;
	v1 =	vmul.f32 v5, v4;
	v4 =	vld [tilespmem:s19+$0xFE00]  }
0x147: {  	v5 =	vld [tilespmem:s19+$0x2100]  }
0x148: {  	v0 =	vadd.f32 v1, v0;
	v1 =	vmul.f32 v6, v2;
	v2 =	vld [tilespmem:s19+$0xFE80]  }
0x149: {  	v6 =	vld [tilespmem:s19+$0x2180]  }
0x14a: {  	v0 =	vadd.f32 v1, v0;
	v1 =	vmul.f32 v7, v3;
	v3 =	vld [tilespmem:s19+$0xFF00]  }
0x14b: {  	v7 =	vld [tilespmem:s19+$0x2200]  }
0x14c: {  	v0 =	vadd.f32 v1, v0;
	v1 =	vmul.f32 v5, v4;
	v4 =	vld [tilespmem:s19+$0xFF80]  }
0x14d: {  	v5 =	vld [tilespmem:s19+$0x2280]  }
0x14e: {  	v0 =	vadd.f32 v1, v0;
	v1 =	vmul.f32 v6, v2;
	v2 =	vld [tilespmem:s19+$0x10000]  }
0x14f: {  	v6 =	vld [tilespmem:s19+$0x2300]  }
0x150: {  	v0 =	vadd.f32 v1, v0;
	v1 =	vmul.f32 v7, v3;
	v3 =	vld [tilespmem:s19+$0x10080]  }
0x151: {  	v7 =	vld [tilespmem:s19+$0x2380]  }
0x152: {  	v0 =	vadd.f32 v1, v0;
	v1 =	vmul.f32 v5, v4;
	v4 =	vld [tilespmem:s19+$0x10100]  }
0x153: {  	v5 =	vld [tilespmem:s19+$0x2400]  }
0x154: {  	v0 =	vadd.f32 v1, v0;
	v1 =	vmul.f32 v6, v2;
	v2 =	vld [tilespmem:s19+$0x10180]  }
0x155: {  	v6 =	vld [tilespmem:s19+$0x2480]  }
0x156: {  	v8 =	vld [tilespmem:s19+$0x2500];
	v0 =	vadd.f32 v1, v0;
	v1 =	vmul.f32 v7, v3  }
0x157: {  	v7 =	vld [tilespmem:s19+$0x10200]  }
0x158: {  	v63 =	vld [tilespmem:s19+$0x10280];
	v0 =	vadd.f32 v1, v0;
	v1 =	vmul.f32 v5, v4  }
0x159: {  	v10 =	vld [tilespmem:s19+$0x2580]  }
0x15a: {  	v3 =	vld [tilespmem:s19+$0x2600];
	v2 =	vmul.f32 v6, v2;
	v1 =	vadd.f32 v1, v0  }
0x15b: {  	v0 =	vld [tilespmem:s19+$0x10300]  }
0x15c: {  	v4 =	vld [tilespmem:s19+$0x2680];
	v6 =	vmul.f32 v8, v7;
	v5 =	vadd.f32 v2, v1  }
0x15d: {  	s21 =	simm.s32 $0x10;
	v1 =	vld [tilespmem:s19+$0x10380]  }
0x15e: {  	s20 =	simm.s32 $0x80;
	v2 =	vld [tilespmem:s21+$0xF700];
	v5 =	vadd.f32 v6, v5;
	v6 =	vmul.f32 v10, v63  }
.LBB2_8:
0x15f: {  	p0 =	sne.s32 s20, $0x1C0;
	v7 =	vld [tilespmem:s21+$0x1A00]  }
0x160: {  	v8 =	vld [tilespmem:s21+$0xF780];
	v5 =	vadd.f32 v6, v5;
	v0 =	vmul.f32 v3, v0  }
0x161: {  	v3 =	vld [tilespmem:s21+$0x1A80]  }
0x162: {  	v6 =	vld [tilespmem:s21+$0xF800];
	v0 =	vadd.f32 v0, v5;
	v1 =	vmul.f32 v4, v1  }
0x163: {  	v4 =	vld [tilespmem:s21+$0x1B00]  }
0x164: {  	v2 =	vmul.f32 v7, v2;
	v5 =	vld [tilespmem:s21+$0xF880];
	v0 =	vadd.f32 v1, v0  }
0x165: {  	v1 =	vld [tilespmem:s21+$0x1B80]  }
0x166: {  	v2 =	vadd.f32 $0.0e+00, v2;
	v3 =	vmul.f32 v3, v8;
	v7 =	vld [tilespmem:s21+$0xF900];
	[tilespmem:s19+$0x10C00] =	vst v0;
	s19 =	smov.u32 s21  }
0x167: {  	v0 =	vld [tilespmem:s19+$0x1C00]  }
0x168: {  	v2 =	vadd.f32 v3, v2;
	v3 =	vmul.f32 v4, v6;
	v4 =	vld [tilespmem:s19+$0xF980]  }
0x169: {  	v6 =	vld [tilespmem:s19+$0x1C80]  }
0x16a: {  	v2 =	vadd.f32 v3, v2;
	v1 =	vmul.f32 v1, v5;
	v3 =	vld [tilespmem:s19+$0xFA00]  }
0x16b: {  	v5 =	vld [tilespmem:s19+$0x1D00]  }
0x16c: {  	v1 =	vadd.f32 v1, v2;
	v0 =	vmul.f32 v0, v7;
	v2 =	vld [tilespmem:s19+$0xFA80]  }
0x16d: {  	v7 =	vld [tilespmem:s19+$0x1D80]  }
0x16e: {  	v0 =	vadd.f32 v0, v1;
	v1 =	vmul.f32 v6, v4;
	v4 =	vld [tilespmem:s19+$0xFB00]  }
0x16f: {  	v6 =	vld [tilespmem:s19+$0x1E00]  }
0x170: {  	v0 =	vadd.f32 v1, v0;
	v1 =	vmul.f32 v5, v3;
	v3 =	vld [tilespmem:s19+$0xFB80]  }
0x171: {  	v5 =	vld [tilespmem:s19+$0x1E80]  }
0x172: {  	v0 =	vadd.f32 v1, v0;
	v1 =	vmul.f32 v7, v2;
	v2 =	vld [tilespmem:s19+$0xFC00]  }
0x173: {  	v7 =	vld [tilespmem:s19+$0x1F00]  }
0x174: {  	v0 =	vadd.f32 v1, v0;
	v1 =	vmul.f32 v6, v4;
	v4 =	vld [tilespmem:s19+$0xFC80]  }
0x175: {  	v6 =	vld [tilespmem:s19+$0x1F80]  }
0x176: {  	v0 =	vadd.f32 v1, v0;
	v1 =	vmul.f32 v5, v3;
	v3 =	vld [tilespmem:s19+$0xFD00]  }
0x177: {  	v5 =	vld [tilespmem:s19+$0x2000]  }
0x178: {  	v0 =	vadd.f32 v1, v0;
	v1 =	vmul.f32 v7, v2;
	v2 =	vld [tilespmem:s19+$0xFD80]  }
0x179: {  	v7 =	vld [tilespmem:s19+$0x2080]  }
0x17a: {  	v0 =	vadd.f32 v1, v0;
	v1 =	vmul.f32 v6, v4;
	v4 =	vld [tilespmem:s19+$0xFE00]  }
0x17b: {  	v6 =	vld [tilespmem:s19+$0x2100]  }
0x17c: {  	v0 =	vadd.f32 v1, v0;
	v1 =	vmul.f32 v5, v3;
	v3 =	vld [tilespmem:s19+$0xFE80]  }
0x17d: {  	v5 =	vld [tilespmem:s19+$0x2180]  }
0x17e: {  	v0 =	vadd.f32 v1, v0;
	v1 =	vmul.f32 v7, v2;
	v2 =	vld [tilespmem:s19+$0xFF00]  }
0x17f: {  	v7 =	vld [tilespmem:s19+$0x2200]  }
0x180: {  	v0 =	vadd.f32 v1, v0;
	v1 =	vmul.f32 v6, v4;
	v4 =	vld [tilespmem:s19+$0xFF80]  }
0x181: {  	v6 =	vld [tilespmem:s19+$0x2280]  }
0x182: {  	v0 =	vadd.f32 v1, v0;
	v1 =	vmul.f32 v5, v3;
	v3 =	vld [tilespmem:s19+$0x10000]  }
0x183: {  	v5 =	vld [tilespmem:s19+$0x2300]  }
0x184: {  	v0 =	vadd.f32 v1, v0;
	v1 =	vmul.f32 v7, v2;
	v2 =	vld [tilespmem:s19+$0x10080]  }
0x185: {  	v7 =	vld [tilespmem:s19+$0x2380]  }
0x186: {  	v0 =	vadd.f32 v1, v0;
	v1 =	vmul.f32 v6, v4;
	v4 =	vld [tilespmem:s19+$0x10100]  }
0x187: {  	v6 =	vld [tilespmem:s19+$0x2400]  }
0x188: {  	v0 =	vadd.f32 v1, v0;
	v1 =	vmul.f32 v5, v3;
	v3 =	vld [tilespmem:s19+$0x10180]  }
0x189: {  	v5 =	vld [tilespmem:s19+$0x2480]  }
0x18a: {  	v0 =	vadd.f32 v1, v0;
	v1 =	vmul.f32 v7, v2;
	v2 =	vld [tilespmem:s19+$0x10200]  }
0x18b: {  	v7 =	vld [tilespmem:s19+$0x2500]  }
0x18c: {  	v0 =	vadd.f32 v1, v0;
	v1 =	vmul.f32 v6, v4;
	v6 =	vld [tilespmem:s19+$0x10280]  }
0x18d: {  	v8 =	vld [tilespmem:s19+$0x2580]  }
.Ltmp3:
0x18e: {  	v1 =	vadd.f32 v1, v0;
	v4 =	vmul.f32 v5, v3;
	v0 =	vld [tilespmem:s19+$0x10300];
	(pc) =	sbr.rel @p0 .LBB2_8-.Ltmp3, $4  }
0x18f: {  	v3 =	vld [tilespmem:s19+$0x2600]  }
0x190: {  	v5 =	vadd.f32 v4, v1;
	v7 =	vmul.f32 v7, v2;
	v1 =	vld [tilespmem:s19+$0x10380]  }
0x191: {  	s21 =	sshra.s32 s20, $0x2;
	v4 =	vld [tilespmem:s19+$0x2680]  }
0x192: {  	s20 =	sadd.s32 $0x40, s20;
	v2 =	vld [tilespmem:s21+$0xF700];
	v5 =	vadd.f32 v7, v5;
	v6 =	vmul.f32 v8, v6  }
0x193: {  	v7 =	vld [tilespmem:s21+$0x1A00]  }
0x194: {  	v8 =	vld [tilespmem:s21+$0xF780];
	v5 =	vadd.f32 v6, v5;
	v0 =	vmul.f32 v3, v0  }
0x195: {  	v49 =	vld [tilespmem:s21+$0x1A80]  }
0x196: {  	v50 =	vld [tilespmem:s21+$0xF800];
	v0 =	vadd.f32 v0, v5;
	v1 =	vmul.f32 v4, v1  }
0x197: {  	v51 =	vld [tilespmem:s21+$0x1B00]  }
0x198: {  	v52 =	vld [tilespmem:s21+$0xF880];
	v2 =	vmul.f32 v7, v2;
	v0 =	vadd.f32 v1, v0  }
0x199: {  	v53 =	vld [tilespmem:s21+$0x1B80]  }
0x19a: {  	v54 =	vld [tilespmem:s21+$0xF900];
	v3 =	vmul.f32 v49, v8;
	v2 =	vadd.f32 $0.0e+00, v2;
	[tilespmem:s19+$0x10C00] =	vst v0  }
0x19b: {  	v0 =	vld [tilespmem:s21+$0x1C00]  }
0x19c: {  	v55 =	vmul.f32 v51, v50;
	v56 =	vld [tilespmem:s21+$0xF980];
	v2 =	vadd.f32 v3, v2  }
0x19d: {  	v57 =	vld [tilespmem:s21+$0x1C80]  }
0x19e: {  	v1 =	vmul.f32 v53, v52;
	v58 =	vld [tilespmem:s21+$0xFA00];
	v2 =	vadd.f32 v55, v2  }
0x19f: {  	v59 =	vld [tilespmem:s21+$0x1D00]  }
0x1a0: {  	v60 =	vld [tilespmem:s21+$0xFA80];
	v1 =	vadd.f32 v1, v2;
	v0 =	vmul.f32 v0, v54  }
0x1a1: {  	v61 =	vld [tilespmem:s21+$0x1D80]  }
0x1a2: {  	v63 =	vld [tilespmem:s21+$0xFB00];
	v62 =	vmul.f32 v57, v56;
	v0 =	vadd.f32 v0, v1  }
0x1a3: {  	v9 =	vld [tilespmem:s21+$0x1E00]  }
0x1a4: {  	v11 =	vld [tilespmem:s21+$0xFB80];
	v10 =	vmul.f32 v59, v58;
	v0 =	vadd.f32 v62, v0  }
0x1a5: {  	v12 =	vld [tilespmem:s21+$0x1E80]  }
0x1a6: {  	v14 =	vld [tilespmem:s21+$0xFC00];
	v13 =	vmul.f32 v61, v60;
	v0 =	vadd.f32 v10, v0  }
0x1a7: {  	v15 =	vld [tilespmem:s21+$0x1F00]  }
0x1a8: {  	v17 =	vld [tilespmem:s21+$0xFC80];
	v16 =	vmul.f32 v9, v63;
	v0 =	vadd.f32 v13, v0  }
0x1a9: {  	v18 =	vld [tilespmem:s21+$0x1F80]  }
0x1aa: {  	v20 =	vld [tilespmem:s21+$0xFD00];
	v19 =	vmul.f32 v12, v11;
	v0 =	vadd.f32 v16, v0  }
0x1ab: {  	v21 =	vld [tilespmem:s21+$0x2000]  }
0x1ac: {  	v23 =	vld [tilespmem:s21+$0xFD80];
	v22 =	vmul.f32 v15, v14;
	v0 =	vadd.f32 v19, v0  }
0x1ad: {  	v24 =	vld [tilespmem:s21+$0x2080]  }
0x1ae: {  	v26 =	vld [tilespmem:s21+$0xFE00];
	v25 =	vmul.f32 v18, v17;
	v0 =	vadd.f32 v22, v0  }
0x1af: {  	v27 =	vld [tilespmem:s21+$0x2100]  }
0x1b0: {  	v29 =	vld [tilespmem:s21+$0xFE80];
	v28 =	vmul.f32 v21, v20;
	v0 =	vadd.f32 v25, v0  }
0x1b1: {  	v30 =	vld [tilespmem:s21+$0x2180]  }
0x1b2: {  	v32 =	vld [tilespmem:s21+$0xFF00];
	v31 =	vmul.f32 v24, v23;
	v0 =	vadd.f32 v28, v0  }
0x1b3: {  	v33 =	vld [tilespmem:s21+$0x2200]  }
0x1b4: {  	v35 =	vld [tilespmem:s21+$0xFF80];
	v34 =	vmul.f32 v27, v26;
	v0 =	vadd.f32 v31, v0  }
0x1b5: {  	v36 =	vld [tilespmem:s21+$0x2280]  }
0x1b6: {  	v38 =	vld [tilespmem:s21+$0x10000];
	v37 =	vmul.f32 v30, v29;
	v0 =	vadd.f32 v34, v0  }
0x1b7: {  	v39 =	vld [tilespmem:s21+$0x2300]  }
0x1b8: {  	v41 =	vld [tilespmem:s21+$0x10080];
	v40 =	vmul.f32 v33, v32;
	v0 =	vadd.f32 v37, v0  }
0x1b9: {  	v42 =	vld [tilespmem:s21+$0x2380]  }
0x1ba: {  	v44 =	vld [tilespmem:s21+$0x10100];
	v43 =	vmul.f32 v36, v35;
	v0 =	vadd.f32 v40, v0  }
0x1bb: {  	v45 =	vld [tilespmem:s21+$0x2400]  }
0x1bc: {  	v47 =	vld [tilespmem:s21+$0x10180];
	v46 =	vmul.f32 v39, v38;
	v0 =	vadd.f32 v43, v0  }
0x1bd: {  	v48 =	vld [tilespmem:s21+$0x2480]  }
0x1be: {  	v50 =	vld [tilespmem:s21+$0x10200];
	v49 =	vmul.f32 v42, v41;
	v0 =	vadd.f32 v46, v0  }
0x1bf: {  	v51 =	vld [tilespmem:s21+$0x2500]  }
0x1c0: {  	v53 =	vld [tilespmem:s21+$0x10280];
	v52 =	vmul.f32 v45, v44;
	v0 =	vadd.f32 v49, v0  }
0x1c1: {  	v54 =	vld [tilespmem:s21+$0x2580]  }
0x1c2: {  	v55 =	vmul.f32 v48, v47;
	v56 =	vld [tilespmem:s21+$0x10300];
	v0 =	vadd.f32 v52, v0  }
0x1c3: {  	v57 =	vld [tilespmem:s21+$0x2600]  }
0x1c4: {  	v58 =	vmul.f32 v51, v50;
	v59 =	vld [tilespmem:s21+$0x10380];
	v0 =	vadd.f32 v55, v0  }
0x1c5: {  	v60 =	vld [tilespmem:s21+$0x2680]  }
0x1c6: {  	v61 =	vmul.f32 v54, v53;
	v0 =	vadd.f32 v58, v0;
	_ =	sdelay $0x1  }
0x1c7: {  	v62 =	vmul.f32 v57, v56;
	v0 =	vadd.f32 v61, v0;
	_ =	sdelay $0x1  }
0x1c8: {  	v63 =	vmul.f32 v60, v59;
	v0 =	vadd.f32 v62, v0;
	_ =	sdelay $0x1  }
0x1c9: {  	v0 =	vadd.f32 v63, v0;
	_ =	sdelay $0x1  }
0x1ca: {  	[tilespmem:s21+$0x10C00] =	vst v0  }
0x1cb: {  	[hbm4b:s7+s10] =	stream.strided.scatter [tilespmem:s16], [sflag:$0x3], $0x800, s11, s10, $0x38;
	[tilespmem:$0x10C80] =	vst v63  }
0x1cc: {  	s18 =	sadd.s32 $0x1, s18;
	_ =	swait.ge [sflag:s12], $0x800  }
0x1cd: {  	p0 =	sne.s32 s18, s9;
	[sflag:s12] =	ssyncset.done $0x0  }
.Ltmp4:
0x1ce: {  	[sflag:s12] =	ssyncadd.s32 $0xFFFFF800;
	(pc) =	sbr.rel @p0 .LBB2_1-.Ltmp4, $4  }
0x1cf: {  	[hbm4b:s8+s2] =	stream.linear.scatter [tilespmem:s17], [sflag:$0x3], $0x80, $0x38;
	[tilespmem:$0x10C80] =	vst v63  }
0x1d0: {  	_ =	swait.ge [sflag:s12], $0x80  }
0x1d1: {  	[sflag:s12] =	ssyncset.done $0x0  }
0x1d2: {  	[sflag:s12] =	ssyncadd.s32 $0xFFFFFF80  }
0x1d3: {  	_ =	sfence.sel $0x180000  }
0x1d4: {  	[bflag:$0x0] =	sbarrier.arrive $0xFFFF  }
0x1d5: {  	p0 =	sne.s32 s1, $0x0;
	_ =	strace $0x90000047  }
0x1d6: {  	s0 =	sadd.s32 @!p0 $0x100000, s0;
	[bflag:$0x2] =	sbarrier.arrive $0xFFFF  }
0x1d7: {  	[sflag:s0] =	ssyncadd.tile.s32 @!p0 $0x1;
	_ =	shalt  }
.Lfunc_end2:
_tile_overlayer_lowered:
.L_overlay_start_2:
0x1d8: {  	(tag) =	ssettag $0x2  }
0x1d9: {  	s0 =	rddreg [dreg:$0x0];
	s2 =	stileid.u32  }
0x1da: {  	s1 =	rddreg [dreg:$0x1];
	p0 =	sne.s32 s2, $0x0  }
0x1db: {  	s3 =	rddreg [dreg:$0x2];
	[bflag:$0x3] =	sbarrier.arrive $0xFFFF;
	s2 =	simm.s32 @!p0 $0x1C03  }
0x1dc: {  	[timem:s3], [sflag:s2] =	dma.local @!p0 [hbm:s0], s1  }
0x1dd: {  	s0 =	simm.s32 @!p0 $0x3  }
0x1de: {  	_ =	swait.ge @!p0 [sflag:s0], s1  }
0x1df: {  	s1 =	ssub.s32 @!p0 $0x0, s1;
	[sflag:s0] =	ssyncset.done @!p0 $0x0  }
0x1e0: {  	[sflag:s0] =	ssyncadd.s32 @!p0 s1  }
0x1e1: {  	[bflag:$0x3] =	sbarrier.arrive $0xFFFF  }
0x1e2: {  	_ =	shalt  }

</sc_bundles>
